<compile_context>
chip_gen: v7x
topology: tpu7x:2x2x1
jax: 0.10.2.dev20260603
libtpu: 0.0.44.dev20260713+nightly
codegen_flags: <defaults>
</compile_context>

<pallas_src>
import functools

import jax
import jax.numpy as jnp
from jax import lax
from jax.experimental import pallas as pl
from jax.experimental.pallas import tpu as pltpu
from jax.experimental.pallas import tpu_sc as plsc

N = 10000
D = 128
E = 320000
NC = 2
NS = 16
L = 16
NW = NC * NS
EPW = E // NW
K = 40
NBLK = EPW // K
NP = 10112
NR2 = 640
NT = NP + NR2
RPT = NT // NS
BN = 2000


def _lane_take(v, idx):
    return lax.gather(
        v, idx[:, None],
        lax.GatherDimensionNumbers(
            offset_dims=(), collapsed_slice_dims=(0,), start_index_map=(0,)),
        (1,), mode=lax.GatherScatterMode.PROMISE_IN_BOUNDS)


def _prep_body(x_ref, w1_ref, g_ref, xw1_ref):
    xw = jnp.dot(x_ref[...], w1_ref[...], preferred_element_type=jnp.float32)
    xw1_ref[...] = xw
    g_ref[...] = jnp.concatenate([xw, x_ref[...]], axis=1)


def _prep(x, W1):
    return pl.pallas_call(
        _prep_body,
        grid=(N // BN,),
        in_specs=[
            pl.BlockSpec((BN, D), lambda i: (i, 0)),
            pl.BlockSpec((D, D), lambda i: (0, 0)),
        ],
        out_specs=[
            pl.BlockSpec((BN, 2 * D), lambda i: (i, 0)),
            pl.BlockSpec((BN, D), lambda i: (i, 0)),
        ],
        out_shape=[
            jax.ShapeDtypeStruct((N, 2 * D), jnp.float32),
            jax.ShapeDtypeStruct((N, D), jnp.float32),
        ],
    )(x, W1)


def _combine_body(x_ref, w4_ref, b4_ref, acc_ref, wd_ref, h_ref):
    x = x_ref[...]
    xl = jnp.dot(x, w4_ref[...], preferred_element_type=jnp.float32) + b4_ref[...]
    s = acc_ref[0] + acc_ref[1]
    a2 = wd_ref[0] + wd_ref[1]
    wsum = a2[:, 0:1]
    deg = a2[:, 1:2]
    h_ref[...] = wsum * x + deg * xl - s


def _combine(x, W4, b4, accs, wd):
    return pl.pallas_call(
        _combine_body,
        grid=(N // BN,),
        in_specs=[
            pl.BlockSpec((BN, D), lambda i: (i, 0)),
            pl.BlockSpec((D, D), lambda i: (0, 0)),
            pl.BlockSpec((1, D), lambda i: (0, 0)),
            pl.BlockSpec((NC, BN, D), lambda i: (0, i, 0)),
            pl.BlockSpec((NC, BN, 2), lambda i: (0, i, 0)),
        ],
        out_specs=pl.BlockSpec((BN, D), lambda i: (i, 0)),
        out_shape=jax.ShapeDtypeStruct((N, D), jnp.float32),
    )(x, W4, b4, accs, wd)


def _sc_body(src_hbm, dst_hbm, mix_hbm, g_hbm, xw1_hbm, par_hbm, zero_hbm,
             out_hbm,
             sidx0, sidx1, didx0, didx1, midx0, midx1,
             gsrc0, gsrc1, gdst0, gdst1, mall, pvm, acc,
             sa0, sa1, sb0, sb1):
    c = lax.axis_index("c")
    s = lax.axis_index("s")
    wid = s * NC + c
    sidx = (sidx0, sidx1)
    didx = (didx0, didx1)
    midx = (midx0, midx1)
    gsrc = (gsrc0, gsrc1)
    gdst = (gdst0, gdst1)
    sa = (sa0, sa1)
    sb = (sb0, sb1)

    pltpu.sync_copy(par_hbm, pvm)
    pltpu.sync_copy(zero_hbm, acc.at[pl.ds(s * RPT, RPT)])

    zv = jnp.zeros((L,), jnp.float32)

    @pl.loop(0, 2 * K)
    def _z(j):
        for v in range(D // L):
            mall[j, pl.ds(v * L, L)] = zv

    plsc.subcore_barrier()

    ebase = wid * EPW
    io = lax.iota(jnp.int32, L)
    io16 = io + L
    b1vs = [pvm[pl.ds(v * L, L)] for v in range(D // L)]
    w2vs = [pvm[pl.ds(D + v * L, L)] for v in range(D // L)]
    b2v = pvm[pl.ds(2 * D, L)]

    def load_and_fire(buf, blk):
        base = ebase + blk * K
        pltpu.sync_copy(src_hbm.at[pl.ds(base, K)], sidx[buf])
        pltpu.sync_copy(dst_hbm.at[pl.ds(base, K)], didx[buf])
        pltpu.sync_copy(mix_hbm.at[pl.ds(base * 2, 2 * K)], midx[buf])
        pltpu.async_copy(g_hbm.at[sidx[buf]], gsrc[buf], sa[buf])
        pltpu.async_copy(xw1_hbm.at[didx[buf]], gdst[buf], sb[buf])

    load_and_fire(0, 0)

    @pl.loop(0, NBLK // 2)
    def _blk2(it):
        for b in (0, 1):
            cur = it * 2 + b
            nxt = cur + 1

            @pl.when(nxt < NBLK)
            def _pf():
                load_and_fire(1 - b, nxt)

            pltpu.make_async_copy(g_hbm.at[sidx[b]], gsrc[b], sa[b]).wait()
            pltpu.make_async_copy(xw1_hbm.at[didx[b]], gdst[b], sb[b]).wait()

            gsr = gsrc[b]
            gds = gdst[b]
            ddx = didx[b]

            @pl.loop(0, K)
            def _edge(j):
                dot = zv
                for v in range(D // L):
                    a = gds[j, pl.ds(v * L, L)]
                    bb = gsr[j, pl.ds(v * L, L)]
                    r = jnp.maximum(a - bb + b1vs[v], 0.0)
                    dot = dot + r * w2vs[v]
                for sh in (8, 4, 2, 1):
                    dot = dot + _lane_take(dot, io ^ sh)
                wv = 1.0 / (1.0 + jnp.exp(-(dot + b2v)))
                for v in range(D // L):
                    xs = gsr[j, pl.ds(D + v * L, L)]
                    mall[j, pl.ds(v * L, L)] = wv * xs
                jhi = jnp.minimum((j // L) * L, K - L)
                dvec = ddx[pl.ds(jhi, L)]
                djv = _lane_take(dvec, jnp.broadcast_to(j - jhi, (L,)))
                om = (djv & 15) * 2
                mall[K + j, pl.ds(0, L)] = jnp.where(
                    io == om, wv, jnp.where(io == om + 1, 1.0, 0.0))
                mall[K + j, pl.ds(L, L)] = jnp.where(
                    io16 == om, wv, jnp.where(io16 == om + 1, 1.0, 0.0))

            pltpu.sync_copy(mall, acc.at[midx[b]], add=True)

    plsc.subcore_barrier()
    pltpu.sync_copy(acc.at[pl.ds(s * RPT, RPT)],
                    out_hbm.at[c, pl.ds(s * RPT, RPT)])


_sc_edges = functools.partial(
    pl.kernel,
    out_type=jax.ShapeDtypeStruct((NC, NT, D), jnp.float32),
    mesh=plsc.VectorSubcoreMesh(core_axis_name="c", subcore_axis_name="s"),
    scratch_types=[
        pltpu.VMEM((K,), jnp.int32),
        pltpu.VMEM((K,), jnp.int32),
        pltpu.VMEM((K,), jnp.int32),
        pltpu.VMEM((K,), jnp.int32),
        pltpu.VMEM((2 * K,), jnp.int32),
        pltpu.VMEM((2 * K,), jnp.int32),
        pltpu.VMEM((K, 2 * D), jnp.float32),
        pltpu.VMEM((K, 2 * D), jnp.float32),
        pltpu.VMEM((K, D), jnp.float32),
        pltpu.VMEM((K, D), jnp.float32),
        pltpu.VMEM((2 * K, D), jnp.float32),
        pltpu.VMEM((2 * D + L,), jnp.float32),
        pltpu.VMEM_SHARED((NT, D), jnp.float32),
        pltpu.SemaphoreType.DMA,
        pltpu.SemaphoreType.DMA,
        pltpu.SemaphoreType.DMA,
        pltpu.SemaphoreType.DMA,
    ],
)(_sc_body)


def kernel(x, edge_index, W1, b1, W2, b2, W4, b4):
    g, xw1 = _prep(x, W1)
    src = edge_index[0]
    dst = edge_index[1]
    mix = jnp.concatenate(
        [dst.reshape(-1, K), NP + lax.shift_right_logical(dst, 4).reshape(-1, K)],
        axis=1).reshape(-1)
    par = jnp.concatenate([b1, W2[:, 0], jnp.broadcast_to(b2, (L,))])
    zeros = jnp.zeros((RPT, D), jnp.float32)
    accs = _sc_edges(src, dst, mix, g, xw1, par, zeros)
    wd = accs[:, NP:NP + N // 16, :32].reshape(NC, N, 2)
    return _combine(x, W4, b4.reshape(1, D), accs, wd)

# --- scband reference (transcript-rebuilt; emitter-appended) ---
"""Pipeline reference for scband-weight-edge-conv-16037407884014 (READ-ONLY COPY).

The authoritative reference and input builder live on the scoring server;
editing this copy changes nothing except your own understanding.
"""

import jax, jax.numpy as jnp
import numpy as np

N = 10000
E = 320000
D = 128


def setup_inputs(seed: int = 0) -> dict:
    key = jax.random.key(seed)
    ks = jax.random.split(key, 8)
    x = jax.random.normal(ks[0], (N, D), dtype=jnp.float32)
    edge_index = jax.random.randint(ks[1], (2, E), 0, N, dtype=jnp.int32)
    s = 1.0 / np.sqrt(D)
    W1 = jax.random.normal(ks[2], (D, D), dtype=jnp.float32) * s
    b1 = jnp.zeros((D,), dtype=jnp.float32)
    W2 = jax.random.normal(ks[3], (D, 1), dtype=jnp.float32) * s
    b2 = jnp.zeros((1,), dtype=jnp.float32)
    W4 = jax.random.normal(ks[4], (D, D), dtype=jnp.float32) * s
    b4 = jnp.zeros((D,), dtype=jnp.float32)
    return {"x": x, "edge_index": edge_index, "W1": W1, "b1": b1, "W2": W2, "b2": b2, "W4": W4, "b4": b4}


def reference(x, edge_index, W1, b1, W2, b2, W4, b4):
    src = edge_index[0]
    dst = edge_index[1]
    # apply_edges(fn.v_sub_u('x','x','theta')): theta = x_dst - x_src
    theta = jnp.take(x, dst, axis=0) - jnp.take(x, src, axis=0)
    # edge_regre: w = sigmoid(a_linear_2(relu(a_linear_1(theta))))
    h1 = jax.nn.relu(theta @ W1 + b1)
    w = jax.nn.sigmoid(h1 @ W2 + b2)  # [E, 1]
    # edge_weight: w_theta = w * theta
    w_theta = w * theta  # [E, D] (requires in_feat == out_feat)
    # dstdata['x'] = linear4(x_dst)
    x_lin = x @ W4 + b4  # [N, D]
    # update_all(fn.e_add_v('w_theta','x','h'), reduce=sum over mailbox)
    msg = w_theta + jnp.take(x_lin, dst, axis=0)
    h = jax.ops.segment_sum(msg, dst, num_segments=N)
    # self.activation is never set in __init__, so no activation is applied
    return h

if __name__ == "__main__":
    import jax
    _d = setup_inputs()
    print(jax.jit(kernel)(*tuple(_d.values())))

</pallas_src>

<mosaic_0001>
#map = affine_map<(d0, d1) -> (0)>
#map1 = affine_map<(d0, d1) -> (0, 0)>
#map2 = affine_map<(d0, d1) -> (0, 0, 0)>
module attributes {stable_mosaic.version = 14 : i64} {
  func.func @_sc_body(%arg0: i32, %arg1: i32, %arg2: memref<320000xi32, #tpu.memory_space<hbm>>, %arg3: memref<320000xi32, #tpu.memory_space<hbm>>, %arg4: memref<640000xi32, #tpu.memory_space<hbm>>, %arg5: memref<10000x256xf32, #tpu.memory_space<hbm>>, %arg6: memref<10000x128xf32, #tpu.memory_space<hbm>>, %arg7: memref<272xf32, #tpu.memory_space<hbm>>, %arg8: memref<672x128xf32, #tpu.memory_space<hbm>>, %arg9: memref<2x10752x128xf32, #tpu.memory_space<hbm>>, %arg10: memref<40xi32, #tpu.memory_space<vmem>>, %arg11: memref<40xi32, #tpu.memory_space<vmem>>, %arg12: memref<40xi32, #tpu.memory_space<vmem>>, %arg13: memref<40xi32, #tpu.memory_space<vmem>>, %arg14: memref<80xi32, #tpu.memory_space<vmem>>, %arg15: memref<80xi32, #tpu.memory_space<vmem>>, %arg16: memref<40x256xf32, #tpu.memory_space<vmem>>, %arg17: memref<40x256xf32, #tpu.memory_space<vmem>>, %arg18: memref<40x128xf32, #tpu.memory_space<vmem>>, %arg19: memref<40x128xf32, #tpu.memory_space<vmem>>, %arg20: memref<80x128xf32, #tpu.memory_space<vmem>>, %arg21: memref<272xf32, #tpu.memory_space<vmem>>, %arg22: memref<10752x128xf32, #tpu.memory_space<vmem_shared>>, %arg23: memref<!tpu.dma_semaphore, #tpu.memory_space<semaphore_mem>>, %arg24: memref<!tpu.dma_semaphore, #tpu.memory_space<semaphore_mem>>, %arg25: memref<!tpu.dma_semaphore, #tpu.memory_space<semaphore_mem>>, %arg26: memref<!tpu.dma_semaphore, #tpu.memory_space<semaphore_mem>>) attributes {dimension_semantics = [#tpu.dimension_semantics<core_parallel>, #tpu.dimension_semantics<subcore_parallel>], iteration_bounds = array<i64: 2, 16>, scalar_prefetch = 0 : i64, scratch_operands = 17 : i64, tpu.core_type = #tpu.core_type<sc_vector_subcore>, window_params = [{transform_indices = #map}, {transform_indices = #map}, {transform_indices = #map}, {transform_indices = #map1}, {transform_indices = #map1}, {transform_indices = #map}, {transform_indices = #map1}, {transform_indices = #map2}]} {
    %mul3A = arith.constant 2 : i32
    %mul3A_0 = arith.muli %arg1, %mul3A : i32
    %add3A = arith.addi %mul3A_0, %arg0 : i32
    "tpu.region"() ({
      %run_scoped3A = tpu.sem_alloc : memref<!tpu.dma_semaphore, #tpu.memory_space<semaphore_mem>>
      tpu.enqueue_dma source(%arg7 : memref<272xf32, #tpu.memory_space<hbm>>) target(%arg21 : memref<272xf32, #tpu.memory_space<vmem>>) target_semaphore(%run_scoped3A : memref<!tpu.dma_semaphore, #tpu.memory_space<semaphore_mem>>)
      tpu.wait_dma2 semaphore(%run_scoped3A : memref<!tpu.dma_semaphore, #tpu.memory_space<semaphore_mem>>) src(%arg7 : memref<272xf32, #tpu.memory_space<hbm>>) dst(%arg21 : memref<272xf32, #tpu.memory_space<vmem>>)
      tpu.yield
    }) : () -> ()
    %mul3A_1 = arith.constant 672 : i32
    %mul3A_2 = arith.muli %arg1, %mul3A_1 : i32
    "tpu.region"() ({
      %run_scoped3A = tpu.sem_alloc : memref<!tpu.dma_semaphore, #tpu.memory_space<semaphore_mem>>
      %dma_start3A_82 = arith.constant 0 : i32
      %dma_start3A_83 = tpu.memref_slice %arg22[%mul3A_2, %dma_start3A_82] : memref<10752x128xf32, #tpu.memory_space<vmem_shared>> -> memref<672x128xf32, #tpu.memory_space<vmem_shared>>
      tpu.enqueue_dma source(%arg8 : memref<672x128xf32, #tpu.memory_space<hbm>>) target(%dma_start3A_83 : memref<672x128xf32, #tpu.memory_space<vmem_shared>>) target_semaphore(%run_scoped3A : memref<!tpu.dma_semaphore, #tpu.memory_space<semaphore_mem>>)
      %dma_wait3A = arith.constant 0 : i32
      %dma_wait3A_84 = tpu.memref_slice %arg22[%mul3A_2, %dma_wait3A] : memref<10752x128xf32, #tpu.memory_space<vmem_shared>> -> memref<672x128xf32, #tpu.memory_space<vmem_shared>>
      tpu.wait_dma2 semaphore(%run_scoped3A : memref<!tpu.dma_semaphore, #tpu.memory_space<semaphore_mem>>) src(%arg8 : memref<672x128xf32, #tpu.memory_space<hbm>>) dst(%dma_wait3A_84 : memref<672x128xf32, #tpu.memory_space<vmem_shared>>)
      tpu.yield
    }) : () -> ()
    %broadcast_in_dim3A = arith.constant 0.000000e+00 : f32
    %broadcast_in_dim3A_3 = vector.broadcast %broadcast_in_dim3A : f32 to vector<16xf32>
    %scan3A = arith.constant 0 : i32
    %scan3A_4 = arith.constant 80 : i32
    %scan3A_5 = arith.addi %scan3A, %scan3A_4 : i32
    %scan3A_6 = arith.constant 1 : i32
    scf.for %scan3A_82 = %scan3A to %scan3A_5 step %scan3A_6  : i32 {
      %mul3A_83 = arith.constant 1 : i32
      %mul3A_84 = arith.muli %scan3A_82, %mul3A_83 : i32
      %add3A_85 = arith.constant 0 : i32
      %add3A_86 = arith.addi %add3A_85, %mul3A_84 : i32
      %swap3A = arith.index_cast %add3A_86 : i32 to index
      %swap3A_87 = arith.constant 0 : index
      %swap3A_88 = tpu.vector_load %arg20[%swap3A, %swap3A_87] {strides = array<i32>} : memref<80x128xf32, #tpu.memory_space<vmem>>, vector<1x16xf32>,
      %swap3A_89 = vector.shape_cast %swap3A_88 : vector<1x16xf32> to vector<16xf32>
      %swap3A_90 = vector.shape_cast %broadcast_in_dim3A_3 : vector<16xf32> to vector<1x16xf32>
      tpu.vector_store %arg20[%swap3A, %swap3A_87], %swap3A_90 {strides = array<i32>} : memref<80x128xf32, #tpu.memory_space<vmem>>, vector<1x16xf32>,
      %swap3A_91 = arith.index_cast %add3A_86 : i32 to index
      %swap3A_92 = arith.constant 16 : index
      %swap3A_93 = tpu.vector_load %arg20[%swap3A_91, %swap3A_92] {strides = array<i32>} : memref<80x128xf32, #tpu.memory_space<vmem>>, vector<1x16xf32>,
      %swap3A_94 = vector.shape_cast %swap3A_93 : vector<1x16xf32> to vector<16xf32>
      %swap3A_95 = vector.shape_cast %broadcast_in_dim3A_3 : vector<16xf32> to vector<1x16xf32>
      tpu.vector_store %arg20[%swap3A_91, %swap3A_92], %swap3A_95 {strides = array<i32>} : memref<80x128xf32, #tpu.memory_space<vmem>>, vector<1x16xf32>,
      %swap3A_96 = arith.index_cast %add3A_86 : i32 to index
      %swap3A_97 = arith.constant 32 : index
      %swap3A_98 = tpu.vector_load %arg20[%swap3A_96, %swap3A_97] {strides = array<i32>} : memref<80x128xf32, #tpu.memory_space<vmem>>, vector<1x16xf32>,
      %swap3A_99 = vector.shape_cast %swap3A_98 : vector<1x16xf32> to vector<16xf32>
      %swap3A_100 = vector.shape_cast %broadcast_in_dim3A_3 : vector<16xf32> to vector<1x16xf32>
      tpu.vector_store %arg20[%swap3A_96, %swap3A_97], %swap3A_100 {strides = array<i32>} : memref<80x128xf32, #tpu.memory_space<vmem>>, vector<1x16xf32>,
      %swap3A_101 = arith.index_cast %add3A_86 : i32 to index
      %swap3A_102 = arith.constant 48 : index
      %swap3A_103 = tpu.vector_load %arg20[%swap3A_101, %swap3A_102] {strides = array<i32>} : memref<80x128xf32, #tpu.memory_space<vmem>>, vector<1x16xf32>,
      %swap3A_104 = vector.shape_cast %swap3A_103 : vector<1x16xf32> to vector<16xf32>
      %swap3A_105 = vector.shape_cast %broadcast_in_dim3A_3 : vector<16xf32> to vector<1x16xf32>
      tpu.vector_store %arg20[%swap3A_101, %swap3A_102], %swap3A_105 {strides = array<i32>} : memref<80x128xf32, #tpu.memory_space<vmem>>, vector<1x16xf32>,
      %swap3A_106 = arith.index_cast %add3A_86 : i32 to index
      %swap3A_107 = arith.constant 64 : index
      %swap3A_108 = tpu.vector_load %arg20[%swap3A_106, %swap3A_107] {strides = array<i32>} : memref<80x128xf32, #tpu.memory_space<vmem>>, vector<1x16xf32>,
      %swap3A_109 = vector.shape_cast %swap3A_108 : vector<1x16xf32> to vector<16xf32>
      %swap3A_110 = vector.shape_cast %broadcast_in_dim3A_3 : vector<16xf32> to vector<1x16xf32>
      tpu.vector_store %arg20[%swap3A_106, %swap3A_107], %swap3A_110 {strides = array<i32>} : memref<80x128xf32, #tpu.memory_space<vmem>>, vector<1x16xf32>,
      %swap3A_111 = arith.index_cast %add3A_86 : i32 to index
      %swap3A_112 = arith.constant 80 : index
      %swap3A_113 = tpu.vector_load %arg20[%swap3A_111, %swap3A_112] {strides = array<i32>} : memref<80x128xf32, #tpu.memory_space<vmem>>, vector<1x16xf32>,
      %swap3A_114 = vector.shape_cast %swap3A_113 : vector<1x16xf32> to vector<16xf32>
      %swap3A_115 = vector.shape_cast %broadcast_in_dim3A_3 : vector<16xf32> to vector<1x16xf32>
      tpu.vector_store %arg20[%swap3A_111, %swap3A_112], %swap3A_115 {strides = array<i32>} : memref<80x128xf32, #tpu.memory_space<vmem>>, vector<1x16xf32>,
      %swap3A_116 = arith.index_cast %add3A_86 : i32 to index
      %swap3A_117 = arith.constant 96 : index
      %swap3A_118 = tpu.vector_load %arg20[%swap3A_116, %swap3A_117] {strides = array<i32>} : memref<80x128xf32, #tpu.memory_space<vmem>>, vector<1x16xf32>,
      %swap3A_119 = vector.shape_cast %swap3A_118 : vector<1x16xf32> to vector<16xf32>
      %swap3A_120 = vector.shape_cast %broadcast_in_dim3A_3 : vector<16xf32> to vector<1x16xf32>
      tpu.vector_store %arg20[%swap3A_116, %swap3A_117], %swap3A_120 {strides = array<i32>} : memref<80x128xf32, #tpu.memory_space<vmem>>, vector<1x16xf32>,
      %swap3A_121 = arith.index_cast %add3A_86 : i32 to index
      %swap3A_122 = arith.constant 112 : index
      %swap3A_123 = tpu.vector_load %arg20[%swap3A_121, %swap3A_122] {strides = array<i32>} : memref<80x128xf32, #tpu.memory_space<vmem>>, vector<1x16xf32>,
      %swap3A_124 = vector.shape_cast %swap3A_123 : vector<1x16xf32> to vector<16xf32>
      %swap3A_125 = vector.shape_cast %broadcast_in_dim3A_3 : vector<16xf32> to vector<1x16xf32>
      tpu.vector_store %arg20[%swap3A_121, %swap3A_122], %swap3A_125 {strides = array<i32>} : memref<80x128xf32, #tpu.memory_space<vmem>>, vector<1x16xf32>,
    }
    %scan3A_7 = arith.constant 80 : i32
    %barrier3A = arith.constant 0 : index
    tpu.barrier barrier_id(%barrier3A)
    %mul3A_8 = arith.constant 10000 : i32
    %mul3A_9 = arith.muli %add3A, %mul3A_8 : i32
    %iota3A = tpu.iota {dimensions = array<i32: 0>} : vector<16xi32>
    %add3A_10 = arith.constant 16 : i32
    %add3A_11 = vector.broadcast %add3A_10 : i32 to vector<16xi32>
    %add3A_12 = arith.addi %iota3A, %add3A_11 : vector<16xi32>
    %get3A = arith.constant 0 : index
    %get3A_13 = tpu.vector_load %arg21[%get3A] {strides = array<i32>} : memref<272xf32, #tpu.memory_space<vmem>>, vector<16xf32>,
    %get3A_14 = vector.shape_cast %get3A_13 : vector<16xf32> to vector<16xf32>
    %get3A_15 = arith.constant 16 : index
    %get3A_16 = tpu.vector_load %arg21[%get3A_15] {strides = array<i32>} : memref<272xf32, #tpu.memory_space<vmem>>, vector<16xf32>,
    %get3A_17 = vector.shape_cast %get3A_16 : vector<16xf32> to vector<16xf32>
    %get3A_18 = arith.constant 32 : index
    %get3A_19 = tpu.vector_load %arg21[%get3A_18] {strides = array<i32>} : memref<272xf32, #tpu.memory_space<vmem>>, vector<16xf32>,
    %get3A_20 = vector.shape_cast %get3A_19 : vector<16xf32> to vector<16xf32>
    %get3A_21 = arith.constant 48 : index
    %get3A_22 = tpu.vector_load %arg21[%get3A_21] {strides = array<i32>} : memref<272xf32, #tpu.memory_space<vmem>>, vector<16xf32>,
    %get3A_23 = vector.shape_cast %get3A_22 : vector<16xf32> to vector<16xf32>
    %get3A_24 = arith.constant 64 : index
    %get3A_25 = tpu.vector_load %arg21[%get3A_24] {strides = array<i32>} : memref<272xf32, #tpu.memory_space<vmem>>, vector<16xf32>,
    %get3A_26 = vector.shape_cast %get3A_25 : vector<16xf32> to vector<16xf32>
    %get3A_27 = arith.constant 80 : index
    %get3A_28 = tpu.vector_load %arg21[%get3A_27] {strides = array<i32>} : memref<272xf32, #tpu.memory_space<vmem>>, vector<16xf32>,
    %get3A_29 = vector.shape_cast %get3A_28 : vector<16xf32> to vector<16xf32>
    %get3A_30 = arith.constant 96 : index
    %get3A_31 = tpu.vector_load %arg21[%get3A_30] {strides = array<i32>} : memref<272xf32, #tpu.memory_space<vmem>>, vector<16xf32>,
    %get3A_32 = vector.shape_cast %get3A_31 : vector<16xf32> to vector<16xf32>
    %get3A_33 = arith.constant 112 : index
    %get3A_34 = tpu.vector_load %arg21[%get3A_33] {strides = array<i32>} : memref<272xf32, #tpu.memory_space<vmem>>, vector<16xf32>,
    %get3A_35 = vector.shape_cast %get3A_34 : vector<16xf32> to vector<16xf32>
    %get3A_36 = arith.constant 128 : index
    %get3A_37 = tpu.vector_load %arg21[%get3A_36] {strides = array<i32>} : memref<272xf32, #tpu.memory_space<vmem>>, vector<16xf32>,
    %get3A_38 = vector.shape_cast %get3A_37 : vector<16xf32> to vector<16xf32>
    %get3A_39 = arith.constant 144 : index
    %get3A_40 = tpu.vector_load %arg21[%get3A_39] {strides = array<i32>} : memref<272xf32, #tpu.memory_space<vmem>>, vector<16xf32>,
    %get3A_41 = vector.shape_cast %get3A_40 : vector<16xf32> to vector<16xf32>
    %get3A_42 = arith.constant 160 : index
    %get3A_43 = tpu.vector_load %arg21[%get3A_42] {strides = array<i32>} : memref<272xf32, #tpu.memory_space<vmem>>, vector<16xf32>,
    %get3A_44 = vector.shape_cast %get3A_43 : vector<16xf32> to vector<16xf32>
    %get3A_45 = arith.constant 176 : index
    %get3A_46 = tpu.vector_load %arg21[%get3A_45] {strides = array<i32>} : memref<272xf32, #tpu.memory_space<vmem>>, vector<16xf32>,
    %get3A_47 = vector.shape_cast %get3A_46 : vector<16xf32> to vector<16xf32>
    %get3A_48 = arith.constant 192 : index
    %get3A_49 = tpu.vector_load %arg21[%get3A_48] {strides = array<i32>} : memref<272xf32, #tpu.memory_space<vmem>>, vector<16xf32>,
    %get3A_50 = vector.shape_cast %get3A_49 : vector<16xf32> to vector<16xf32>
    %get3A_51 = arith.constant 208 : index
    %get3A_52 = tpu.vector_load %arg21[%get3A_51] {strides = array<i32>} : memref<272xf32, #tpu.memory_space<vmem>>, vector<16xf32>,
    %get3A_53 = vector.shape_cast %get3A_52 : vector<16xf32> to vector<16xf32>
    %get3A_54 = arith.constant 224 : index
    %get3A_55 = tpu.vector_load %arg21[%get3A_54] {strides = array<i32>} : memref<272xf32, #tpu.memory_space<vmem>>, vector<16xf32>,
    %get3A_56 = vector.shape_cast %get3A_55 : vector<16xf32> to vector<16xf32>
    %get3A_57 = arith.constant 240 : index
    %get3A_58 = tpu.vector_load %arg21[%get3A_57] {strides = array<i32>} : memref<272xf32, #tpu.memory_space<vmem>>, vector<16xf32>,
    %get3A_59 = vector.shape_cast %get3A_58 : vector<16xf32> to vector<16xf32>
    %get3A_60 = arith.constant 256 : index
    %get3A_61 = tpu.vector_load %arg21[%get3A_60] {strides = array<i32>} : memref<272xf32, #tpu.memory_space<vmem>>, vector<16xf32>,
    %get3A_62 = vector.shape_cast %get3A_61 : vector<16xf32> to vector<16xf32>
    %add3A_63 = arith.constant 0 : i32
    %add3A_64 = arith.addi %mul3A_9, %add3A_63 : i32
    "tpu.region"() ({
      %run_scoped3A = tpu.sem_alloc : memref<!tpu.dma_semaphore, #tpu.memory_space<semaphore_mem>>
      %dma_start3A_82 = tpu.memref_slice %arg2[%add3A_64] : memref<320000xi32, #tpu.memory_space<hbm>> -> memref<40xi32, #tpu.memory_space<hbm>>
      %dma_start3A_83 = tpu.memref_slice %arg2[%add3A_64] : memref<320000xi32, #tpu.memory_space<hbm>> -> memref<40xi32, #tpu.memory_space<hbm>>
      tpu.enqueue_dma source(%dma_start3A_83 : memref<40xi32, #tpu.memory_space<hbm>>) target(%arg10 : memref<40xi32, #tpu.memory_space<vmem>>) target_semaphore(%run_scoped3A : memref<!tpu.dma_semaphore, #tpu.memory_space<semaphore_mem>>)
      %dma_wait3A = tpu.memref_slice %arg2[%add3A_64] : memref<320000xi32, #tpu.memory_space<hbm>> -> memref<40xi32, #tpu.memory_space<hbm>>
      %dma_wait3A_84 = tpu.memref_slice %arg2[%add3A_64] : memref<320000xi32, #tpu.memory_space<hbm>> -> memref<40xi32, #tpu.memory_space<hbm>>
      tpu.wait_dma2 semaphore(%run_scoped3A : memref<!tpu.dma_semaphore, #tpu.memory_space<semaphore_mem>>) src(%dma_wait3A_84 : memref<40xi32, #tpu.memory_space<hbm>>) dst(%arg10 : memref<40xi32, #tpu.memory_space<vmem>>)
      tpu.yield
    }) : () -> ()
    "tpu.region"() ({
      %run_scoped3A = tpu.sem_alloc : memref<!tpu.dma_semaphore, #tpu.memory_space<semaphore_mem>>
      %dma_start3A_82 = tpu.memref_slice %arg3[%add3A_64] : memref<320000xi32, #tpu.memory_space<hbm>> -> memref<40xi32, #tpu.memory_space<hbm>>
      %dma_start3A_83 = tpu.memref_slice %arg3[%add3A_64] : memref<320000xi32, #tpu.memory_space<hbm>> -> memref<40xi32, #tpu.memory_space<hbm>>
      tpu.enqueue_dma source(%dma_start3A_83 : memref<40xi32, #tpu.memory_space<hbm>>) target(%arg12 : memref<40xi32, #tpu.memory_space<vmem>>) target_semaphore(%run_scoped3A : memref<!tpu.dma_semaphore, #tpu.memory_space<semaphore_mem>>)
      %dma_wait3A = tpu.memref_slice %arg3[%add3A_64] : memref<320000xi32, #tpu.memory_space<hbm>> -> memref<40xi32, #tpu.memory_space<hbm>>
      %dma_wait3A_84 = tpu.memref_slice %arg3[%add3A_64] : memref<320000xi32, #tpu.memory_space<hbm>> -> memref<40xi32, #tpu.memory_space<hbm>>
      tpu.wait_dma2 semaphore(%run_scoped3A : memref<!tpu.dma_semaphore, #tpu.memory_space<semaphore_mem>>) src(%dma_wait3A_84 : memref<40xi32, #tpu.memory_space<hbm>>) dst(%arg12 : memref<40xi32, #tpu.memory_space<vmem>>)
      tpu.yield
    }) : () -> ()
    %mul3A_65 = arith.constant 2 : i32
    %mul3A_66 = arith.muli %add3A_64, %mul3A_65 : i32
    "tpu.region"() ({
      %run_scoped3A = tpu.sem_alloc : memref<!tpu.dma_semaphore, #tpu.memory_space<semaphore_mem>>
      %dma_start3A_82 = tpu.memref_slice %arg4[%mul3A_66] : memref<640000xi32, #tpu.memory_space<hbm>> -> memref<80xi32, #tpu.memory_space<hbm>>
      %dma_start3A_83 = tpu.memref_slice %arg4[%mul3A_66] : memref<640000xi32, #tpu.memory_space<hbm>> -> memref<80xi32, #tpu.memory_space<hbm>>
      tpu.enqueue_dma source(%dma_start3A_83 : memref<80xi32, #tpu.memory_space<hbm>>) target(%arg14 : memref<80xi32, #tpu.memory_space<vmem>>) target_semaphore(%run_scoped3A : memref<!tpu.dma_semaphore, #tpu.memory_space<semaphore_mem>>)
      %dma_wait3A = tpu.memref_slice %arg4[%mul3A_66] : memref<640000xi32, #tpu.memory_space<hbm>> -> memref<80xi32, #tpu.memory_space<hbm>>
      %dma_wait3A_84 = tpu.memref_slice %arg4[%mul3A_66] : memref<640000xi32, #tpu.memory_space<hbm>> -> memref<80xi32, #tpu.memory_space<hbm>>
      tpu.wait_dma2 semaphore(%run_scoped3A : memref<!tpu.dma_semaphore, #tpu.memory_space<semaphore_mem>>) src(%dma_wait3A_84 : memref<80xi32, #tpu.memory_space<hbm>>) dst(%arg14 : memref<80xi32, #tpu.memory_space<vmem>>)
      tpu.yield
    }) : () -> ()
    %dma_start3A = arith.constant 0 : i32
    %dma_start3A_67 = arith.constant 0 : i32
    %dma_start3A_68 = tpu.memref_slice %arg5[%dma_start3A, %dma_start3A_67] : memref<10000x256xf32, #tpu.memory_space<hbm>> -> memref<10000x256xf32, #tpu.memory_space<hbm>>
    tpu.enqueue_indirect_dma source(%dma_start3A_68 : memref<10000x256xf32, #tpu.memory_space<hbm>>) target(%arg16 : memref<40x256xf32, #tpu.memory_space<vmem>>) offsets(%arg10 : memref<40xi32, #tpu.memory_space<vmem>>) semaphore(%arg23 : memref<!tpu.dma_semaphore, #tpu.memory_space<semaphore_mem>>)
    %dma_start3A_69 = arith.constant 0 : i32
    %dma_start3A_70 = arith.constant 0 : i32
    %dma_start3A_71 = tpu.memref_slice %arg6[%dma_start3A_69, %dma_start3A_70] : memref<10000x128xf32, #tpu.memory_space<hbm>> -> memref<10000x128xf32, #tpu.memory_space<hbm>>
    tpu.enqueue_indirect_dma source(%dma_start3A_71 : memref<10000x128xf32, #tpu.memory_space<hbm>>) target(%arg18 : memref<40x128xf32, #tpu.memory_space<vmem>>) offsets(%arg12 : memref<40xi32, #tpu.memory_space<vmem>>) semaphore(%arg25 : memref<!tpu.dma_semaphore, #tpu.memory_space<semaphore_mem>>)
    %scan3A_72 = arith.constant 0 : i32
    %scan3A_73 = arith.constant 125 : i32
    %scan3A_74 = arith.addi %scan3A_72, %scan3A_73 : i32
    %scan3A_75 = arith.constant 1 : i32
    scf.for %scan3A_82 = %scan3A_72 to %scan3A_74 step %scan3A_75  : i32 {
      %mul3A_83 = arith.constant 1 : i32
      %mul3A_84 = arith.muli %scan3A_82, %mul3A_83 : i32
      %add3A_85 = arith.constant 0 : i32
      %add3A_86 = arith.addi %add3A_85, %mul3A_84 : i32
      %mul3A_87 = arith.constant 2 : i32
      %mul3A_88 = arith.muli %add3A_86, %mul3A_87 : i32
      %add3A_89 = arith.constant 0 : i32
      %add3A_90 = arith.addi %mul3A_88, %add3A_89 : i32
      %add3A_91 = arith.constant 1 : i32
      %add3A_92 = arith.addi %add3A_90, %add3A_91 : i32
      %lt3A = arith.constant 250 : i32
      %lt3A_93 = arith.cmpi slt, %add3A_92, %lt3A : i32
      %convert_element_type3A = arith.extui %lt3A_93 : i1 to i32
      %cond3A = arith.constant 0 : i32
      %cond3A_94 = arith.cmpi ne, %convert_element_type3A, %cond3A : i32
      scf.if %cond3A_94 {
        %mul3A_127 = arith.constant 40 : i32
        %mul3A_128 = arith.muli %add3A_92, %mul3A_127 : i32
        %add3A_129 = arith.addi %mul3A_9, %mul3A_128 : i32
        "tpu.region"() ({
          %run_scoped3A = tpu.sem_alloc : memref<!tpu.dma_semaphore, #tpu.memory_space<semaphore_mem>>
          %dma_start3A_138 = tpu.memref_slice %arg2[%add3A_129] : memref<320000xi32, #tpu.memory_space<hbm>> -> memref<40xi32, #tpu.memory_space<hbm>>
          %dma_start3A_139 = tpu.memref_slice %arg2[%add3A_129] : memref<320000xi32, #tpu.memory_space<hbm>> -> memref<40xi32, #tpu.memory_space<hbm>>
          tpu.enqueue_dma source(%dma_start3A_139 : memref<40xi32, #tpu.memory_space<hbm>>) target(%arg11 : memref<40xi32, #tpu.memory_space<vmem>>) target_semaphore(%run_scoped3A : memref<!tpu.dma_semaphore, #tpu.memory_space<semaphore_mem>>)
          %dma_wait3A_140 = tpu.memref_slice %arg2[%add3A_129] : memref<320000xi32, #tpu.memory_space<hbm>> -> memref<40xi32, #tpu.memory_space<hbm>>
          %dma_wait3A_141 = tpu.memref_slice %arg2[%add3A_129] : memref<320000xi32, #tpu.memory_space<hbm>> -> memref<40xi32, #tpu.memory_space<hbm>>
          tpu.wait_dma2 semaphore(%run_scoped3A : memref<!tpu.dma_semaphore, #tpu.memory_space<semaphore_mem>>) src(%dma_wait3A_141 : memref<40xi32, #tpu.memory_space<hbm>>) dst(%arg11 : memref<40xi32, #tpu.memory_space<vmem>>)
          tpu.yield
        }) : () -> ()
        "tpu.region"() ({
          %run_scoped3A = tpu.sem_alloc : memref<!tpu.dma_semaphore, #tpu.memory_space<semaphore_mem>>
          %dma_start3A_138 = tpu.memref_slice %arg3[%add3A_129] : memref<320000xi32, #tpu.memory_space<hbm>> -> memref<40xi32, #tpu.memory_space<hbm>>
          %dma_start3A_139 = tpu.memref_slice %arg3[%add3A_129] : memref<320000xi32, #tpu.memory_space<hbm>> -> memref<40xi32, #tpu.memory_space<hbm>>
          tpu.enqueue_dma source(%dma_start3A_139 : memref<40xi32, #tpu.memory_space<hbm>>) target(%arg13 : memref<40xi32, #tpu.memory_space<vmem>>) target_semaphore(%run_scoped3A : memref<!tpu.dma_semaphore, #tpu.memory_space<semaphore_mem>>)
          %dma_wait3A_140 = tpu.memref_slice %arg3[%add3A_129] : memref<320000xi32, #tpu.memory_space<hbm>> -> memref<40xi32, #tpu.memory_space<hbm>>
          %dma_wait3A_141 = tpu.memref_slice %arg3[%add3A_129] : memref<320000xi32, #tpu.memory_space<hbm>> -> memref<40xi32, #tpu.memory_space<hbm>>
          tpu.wait_dma2 semaphore(%run_scoped3A : memref<!tpu.dma_semaphore, #tpu.memory_space<semaphore_mem>>) src(%dma_wait3A_141 : memref<40xi32, #tpu.memory_space<hbm>>) dst(%arg13 : memref<40xi32, #tpu.memory_space<vmem>>)
          tpu.yield
        }) : () -> ()
        %mul3A_130 = arith.constant 2 : i32
        %mul3A_131 = arith.muli %add3A_129, %mul3A_130 : i32
        "tpu.region"() ({
          %run_scoped3A = tpu.sem_alloc : memref<!tpu.dma_semaphore, #tpu.memory_space<semaphore_mem>>
          %dma_start3A_138 = tpu.memref_slice %arg4[%mul3A_131] : memref<640000xi32, #tpu.memory_space<hbm>> -> memref<80xi32, #tpu.memory_space<hbm>>
          %dma_start3A_139 = tpu.memref_slice %arg4[%mul3A_131] : memref<640000xi32, #tpu.memory_space<hbm>> -> memref<80xi32, #tpu.memory_space<hbm>>
          tpu.enqueue_dma source(%dma_start3A_139 : memref<80xi32, #tpu.memory_space<hbm>>) target(%arg15 : memref<80xi32, #tpu.memory_space<vmem>>) target_semaphore(%run_scoped3A : memref<!tpu.dma_semaphore, #tpu.memory_space<semaphore_mem>>)
          %dma_wait3A_140 = tpu.memref_slice %arg4[%mul3A_131] : memref<640000xi32, #tpu.memory_space<hbm>> -> memref<80xi32, #tpu.memory_space<hbm>>
          %dma_wait3A_141 = tpu.memref_slice %arg4[%mul3A_131] : memref<640000xi32, #tpu.memory_space<hbm>> -> memref<80xi32, #tpu.memory_space<hbm>>
          tpu.wait_dma2 semaphore(%run_scoped3A : memref<!tpu.dma_semaphore, #tpu.memory_space<semaphore_mem>>) src(%dma_wait3A_141 : memref<80xi32, #tpu.memory_space<hbm>>) dst(%arg15 : memref<80xi32, #tpu.memory_space<vmem>>)
          tpu.yield
        }) : () -> ()
        %dma_start3A_132 = arith.constant 0 : i32
        %dma_start3A_133 = arith.constant 0 : i32
        %dma_start3A_134 = tpu.memref_slice %arg5[%dma_start3A_132, %dma_start3A_133] : memref<10000x256xf32, #tpu.memory_space<hbm>> -> memref<10000x256xf32, #tpu.memory_space<hbm>>
        tpu.enqueue_indirect_dma source(%dma_start3A_134 : memref<10000x256xf32, #tpu.memory_space<hbm>>) target(%arg17 : memref<40x256xf32, #tpu.memory_space<vmem>>) offsets(%arg11 : memref<40xi32, #tpu.memory_space<vmem>>) semaphore(%arg24 : memref<!tpu.dma_semaphore, #tpu.memory_space<semaphore_mem>>)
        %dma_start3A_135 = arith.constant 0 : i32
        %dma_start3A_136 = arith.constant 0 : i32
        %dma_start3A_137 = tpu.memref_slice %arg6[%dma_start3A_135, %dma_start3A_136] : memref<10000x128xf32, #tpu.memory_space<hbm>> -> memref<10000x128xf32, #tpu.memory_space<hbm>>
        tpu.enqueue_indirect_dma source(%dma_start3A_137 : memref<10000x128xf32, #tpu.memory_space<hbm>>) target(%arg19 : memref<40x128xf32, #tpu.memory_space<vmem>>) offsets(%arg13 : memref<40xi32, #tpu.memory_space<vmem>>) semaphore(%arg26 : memref<!tpu.dma_semaphore, #tpu.memory_space<semaphore_mem>>)
      } else {
      }
      %dma_wait3A = arith.constant 0 : i32
      %dma_wait3A_95 = arith.constant 0 : i32
      %dma_wait3A_96 = tpu.memref_slice %arg5[%dma_wait3A, %dma_wait3A_95] : memref<10000x256xf32, #tpu.memory_space<hbm>> -> memref<10000x256xf32, #tpu.memory_space<hbm>>
      tpu.wait_indirect_dma semaphore(%arg23 : memref<!tpu.dma_semaphore, #tpu.memory_space<semaphore_mem>>) src(%dma_wait3A_96 : memref<10000x256xf32, #tpu.memory_space<hbm>>) dst(%arg16 : memref<40x256xf32, #tpu.memory_space<vmem>>)
      %dma_wait3A_97 = arith.constant 0 : i32
      %dma_wait3A_98 = arith.constant 0 : i32
      %dma_wait3A_99 = tpu.memref_slice %arg6[%dma_wait3A_97, %dma_wait3A_98] : memref<10000x128xf32, #tpu.memory_space<hbm>> -> memref<10000x128xf32, #tpu.memory_space<hbm>>
      tpu.wait_indirect_dma semaphore(%arg25 : memref<!tpu.dma_semaphore, #tpu.memory_space<semaphore_mem>>) src(%dma_wait3A_99 : memref<10000x128xf32, #tpu.memory_space<hbm>>) dst(%arg18 : memref<40x128xf32, #tpu.memory_space<vmem>>)
      %scan3A_100 = arith.constant 0 : i32
      %scan3A_101 = arith.constant 40 : i32
      %scan3A_102 = arith.addi %scan3A_100, %scan3A_101 : i32
      %scan3A_103 = arith.constant 1 : i32
      scf.for %scan3A_127 = %scan3A_100 to %scan3A_102 step %scan3A_103  : i32 {
        %mul3A_128 = arith.constant 1 : i32
        %mul3A_129 = arith.muli %scan3A_127, %mul3A_128 : i32
        %add3A_130 = arith.constant 0 : i32
        %add3A_131 = arith.addi %add3A_130, %mul3A_129 : i32
        %get3A_132 = arith.index_cast %add3A_131 : i32 to index
        %get3A_133 = arith.constant 0 : index
        %get3A_134 = tpu.vector_load %arg18[%get3A_132, %get3A_133] {strides = array<i32>} : memref<40x128xf32, #tpu.memory_space<vmem>>, vector<1x16xf32>,
        %get3A_135 = vector.shape_cast %get3A_134 : vector<1x16xf32> to vector<16xf32>
        %get3A_136 = arith.index_cast %add3A_131 : i32 to index
        %get3A_137 = arith.constant 0 : index
        %get3A_138 = tpu.vector_load %arg16[%get3A_136, %get3A_137] {strides = array<i32>} : memref<40x256xf32, #tpu.memory_space<vmem>>, vector<1x16xf32>,
        %get3A_139 = vector.shape_cast %get3A_138 : vector<1x16xf32> to vector<16xf32>
        %sub3A = arith.subf %get3A_135, %get3A_139 : vector<16xf32>
        %add3A_140 = arith.addf %sub3A, %get3A_14 : vector<16xf32>
        %max3A = arith.constant 0.000000e+00 : f32
        %max3A_141 = vector.broadcast %max3A : f32 to vector<16xf32>
        %max3A_142 = arith.maximumf %add3A_140, %max3A_141 : vector<16xf32>
        %mul3A_143 = arith.mulf %max3A_142, %get3A_38 : vector<16xf32>
        %add3A_144 = arith.addf %broadcast_in_dim3A_3, %mul3A_143 : vector<16xf32>
        %get3A_145 = arith.index_cast %add3A_131 : i32 to index
        %get3A_146 = arith.constant 16 : index
        %get3A_147 = tpu.vector_load %arg18[%get3A_145, %get3A_146] {strides = array<i32>} : memref<40x128xf32, #tpu.memory_space<vmem>>, vector<1x16xf32>,
        %get3A_148 = vector.shape_cast %get3A_147 : vector<1x16xf32> to vector<16xf32>
        %get3A_149 = arith.index_cast %add3A_131 : i32 to index
        %get3A_150 = arith.constant 16 : index
        %get3A_151 = tpu.vector_load %arg16[%get3A_149, %get3A_150] {strides = array<i32>} : memref<40x256xf32, #tpu.memory_space<vmem>>, vector<1x16xf32>,
        %get3A_152 = vector.shape_cast %get3A_151 : vector<1x16xf32> to vector<16xf32>
        %sub3A_153 = arith.subf %get3A_148, %get3A_152 : vector<16xf32>
        %add3A_154 = arith.addf %sub3A_153, %get3A_17 : vector<16xf32>
        %max3A_155 = arith.constant 0.000000e+00 : f32
        %max3A_156 = vector.broadcast %max3A_155 : f32 to vector<16xf32>
        %max3A_157 = arith.maximumf %add3A_154, %max3A_156 : vector<16xf32>
        %mul3A_158 = arith.mulf %max3A_157, %get3A_41 : vector<16xf32>
        %add3A_159 = arith.addf %add3A_144, %mul3A_158 : vector<16xf32>
        %get3A_160 = arith.index_cast %add3A_131 : i32 to index
        %get3A_161 = arith.constant 32 : index
        %get3A_162 = tpu.vector_load %arg18[%get3A_160, %get3A_161] {strides = array<i32>} : memref<40x128xf32, #tpu.memory_space<vmem>>, vector<1x16xf32>,
        %get3A_163 = vector.shape_cast %get3A_162 : vector<1x16xf32> to vector<16xf32>
        %get3A_164 = arith.index_cast %add3A_131 : i32 to index
        %get3A_165 = arith.constant 32 : index
        %get3A_166 = tpu.vector_load %arg16[%get3A_164, %get3A_165] {strides = array<i32>} : memref<40x256xf32, #tpu.memory_space<vmem>>, vector<1x16xf32>,
        %get3A_167 = vector.shape_cast %get3A_166 : vector<1x16xf32> to vector<16xf32>
        %sub3A_168 = arith.subf %get3A_163, %get3A_167 : vector<16xf32>
        %add3A_169 = arith.addf %sub3A_168, %get3A_20 : vector<16xf32>
        %max3A_170 = arith.constant 0.000000e+00 : f32
        %max3A_171 = vector.broadcast %max3A_170 : f32 to vector<16xf32>
        %max3A_172 = arith.maximumf %add3A_169, %max3A_171 : vector<16xf32>
        %mul3A_173 = arith.mulf %max3A_172, %get3A_44 : vector<16xf32>
        %add3A_174 = arith.addf %add3A_159, %mul3A_173 : vector<16xf32>
        %get3A_175 = arith.index_cast %add3A_131 : i32 to index
        %get3A_176 = arith.constant 48 : index
        %get3A_177 = tpu.vector_load %arg18[%get3A_175, %get3A_176] {strides = array<i32>} : memref<40x128xf32, #tpu.memory_space<vmem>>, vector<1x16xf32>,
        %get3A_178 = vector.shape_cast %get3A_177 : vector<1x16xf32> to vector<16xf32>
        %get3A_179 = arith.index_cast %add3A_131 : i32 to index
        %get3A_180 = arith.constant 48 : index
        %get3A_181 = tpu.vector_load %arg16[%get3A_179, %get3A_180] {strides = array<i32>} : memref<40x256xf32, #tpu.memory_space<vmem>>, vector<1x16xf32>,
        %get3A_182 = vector.shape_cast %get3A_181 : vector<1x16xf32> to vector<16xf32>
        %sub3A_183 = arith.subf %get3A_178, %get3A_182 : vector<16xf32>
        %add3A_184 = arith.addf %sub3A_183, %get3A_23 : vector<16xf32>
        %max3A_185 = arith.constant 0.000000e+00 : f32
        %max3A_186 = vector.broadcast %max3A_185 : f32 to vector<16xf32>
        %max3A_187 = arith.maximumf %add3A_184, %max3A_186 : vector<16xf32>
        %mul3A_188 = arith.mulf %max3A_187, %get3A_47 : vector<16xf32>
        %add3A_189 = arith.addf %add3A_174, %mul3A_188 : vector<16xf32>
        %get3A_190 = arith.index_cast %add3A_131 : i32 to index
        %get3A_191 = arith.constant 64 : index
        %get3A_192 = tpu.vector_load %arg18[%get3A_190, %get3A_191] {strides = array<i32>} : memref<40x128xf32, #tpu.memory_space<vmem>>, vector<1x16xf32>,
        %get3A_193 = vector.shape_cast %get3A_192 : vector<1x16xf32> to vector<16xf32>
        %get3A_194 = arith.index_cast %add3A_131 : i32 to index
        %get3A_195 = arith.constant 64 : index
        %get3A_196 = tpu.vector_load %arg16[%get3A_194, %get3A_195] {strides = array<i32>} : memref<40x256xf32, #tpu.memory_space<vmem>>, vector<1x16xf32>,
        %get3A_197 = vector.shape_cast %get3A_196 : vector<1x16xf32> to vector<16xf32>
        %sub3A_198 = arith.subf %get3A_193, %get3A_197 : vector<16xf32>
        %add3A_199 = arith.addf %sub3A_198, %get3A_26 : vector<16xf32>
        %max3A_200 = arith.constant 0.000000e+00 : f32
        %max3A_201 = vector.broadcast %max3A_200 : f32 to vector<16xf32>
        %max3A_202 = arith.maximumf %add3A_199, %max3A_201 : vector<16xf32>
        %mul3A_203 = arith.mulf %max3A_202, %get3A_50 : vector<16xf32>
        %add3A_204 = arith.addf %add3A_189, %mul3A_203 : vector<16xf32>
        %get3A_205 = arith.index_cast %add3A_131 : i32 to index
        %get3A_206 = arith.constant 80 : index
        %get3A_207 = tpu.vector_load %arg18[%get3A_205, %get3A_206] {strides = array<i32>} : memref<40x128xf32, #tpu.memory_space<vmem>>, vector<1x16xf32>,
        %get3A_208 = vector.shape_cast %get3A_207 : vector<1x16xf32> to vector<16xf32>
        %get3A_209 = arith.index_cast %add3A_131 : i32 to index
        %get3A_210 = arith.constant 80 : index
        %get3A_211 = tpu.vector_load %arg16[%get3A_209, %get3A_210] {strides = array<i32>} : memref<40x256xf32, #tpu.memory_space<vmem>>, vector<1x16xf32>,
        %get3A_212 = vector.shape_cast %get3A_211 : vector<1x16xf32> to vector<16xf32>
        %sub3A_213 = arith.subf %get3A_208, %get3A_212 : vector<16xf32>
        %add3A_214 = arith.addf %sub3A_213, %get3A_29 : vector<16xf32>
        %max3A_215 = arith.constant 0.000000e+00 : f32
        %max3A_216 = vector.broadcast %max3A_215 : f32 to vector<16xf32>
        %max3A_217 = arith.maximumf %add3A_214, %max3A_216 : vector<16xf32>
        %mul3A_218 = arith.mulf %max3A_217, %get3A_53 : vector<16xf32>
        %add3A_219 = arith.addf %add3A_204, %mul3A_218 : vector<16xf32>
        %get3A_220 = arith.index_cast %add3A_131 : i32 to index
        %get3A_221 = arith.constant 96 : index
        %get3A_222 = tpu.vector_load %arg18[%get3A_220, %get3A_221] {strides = array<i32>} : memref<40x128xf32, #tpu.memory_space<vmem>>, vector<1x16xf32>,
        %get3A_223 = vector.shape_cast %get3A_222 : vector<1x16xf32> to vector<16xf32>
        %get3A_224 = arith.index_cast %add3A_131 : i32 to index
        %get3A_225 = arith.constant 96 : index
        %get3A_226 = tpu.vector_load %arg16[%get3A_224, %get3A_225] {strides = array<i32>} : memref<40x256xf32, #tpu.memory_space<vmem>>, vector<1x16xf32>,
        %get3A_227 = vector.shape_cast %get3A_226 : vector<1x16xf32> to vector<16xf32>
        %sub3A_228 = arith.subf %get3A_223, %get3A_227 : vector<16xf32>
        %add3A_229 = arith.addf %sub3A_228, %get3A_32 : vector<16xf32>
        %max3A_230 = arith.constant 0.000000e+00 : f32
        %max3A_231 = vector.broadcast %max3A_230 : f32 to vector<16xf32>
        %max3A_232 = arith.maximumf %add3A_229, %max3A_231 : vector<16xf32>
        %mul3A_233 = arith.mulf %max3A_232, %get3A_56 : vector<16xf32>
        %add3A_234 = arith.addf %add3A_219, %mul3A_233 : vector<16xf32>
        %get3A_235 = arith.index_cast %add3A_131 : i32 to index
        %get3A_236 = arith.constant 112 : index
        %get3A_237 = tpu.vector_load %arg18[%get3A_235, %get3A_236] {strides = array<i32>} : memref<40x128xf32, #tpu.memory_space<vmem>>, vector<1x16xf32>,
        %get3A_238 = vector.shape_cast %get3A_237 : vector<1x16xf32> to vector<16xf32>
        %get3A_239 = arith.index_cast %add3A_131 : i32 to index
        %get3A_240 = arith.constant 112 : index
        %get3A_241 = tpu.vector_load %arg16[%get3A_239, %get3A_240] {strides = array<i32>} : memref<40x256xf32, #tpu.memory_space<vmem>>, vector<1x16xf32>,
        %get3A_242 = vector.shape_cast %get3A_241 : vector<1x16xf32> to vector<16xf32>
        %sub3A_243 = arith.subf %get3A_238, %get3A_242 : vector<16xf32>
        %add3A_244 = arith.addf %sub3A_243, %get3A_35 : vector<16xf32>
        %max3A_245 = arith.constant 0.000000e+00 : f32
        %max3A_246 = vector.broadcast %max3A_245 : f32 to vector<16xf32>
        %max3A_247 = arith.maximumf %add3A_244, %max3A_246 : vector<16xf32>
        %mul3A_248 = arith.mulf %max3A_247, %get3A_59 : vector<16xf32>
        %add3A_249 = arith.addf %add3A_234, %mul3A_248 : vector<16xf32>
        %xor3A = arith.constant 8 : i32
        %xor3A_250 = vector.broadcast %xor3A : i32 to vector<16xi32>
        %xor3A_251 = arith.xori %iota3A, %xor3A_250 : vector<16xi32>
        %broadcast_in_dim3A_252 = vector.shape_cast %xor3A_251 : vector<16xi32> to vector<16x1xi32>
        %gather3A = vector.shape_cast %broadcast_in_dim3A_252 : vector<16x1xi32> to vector<16xi32>
        %gather3A_253 = tpu.dynamic_gather %add3A_249[%gather3A] in [0] : vector<16xf32>, vector<16xi32> -> vector<16xf32>
        %add3A_254 = arith.addf %add3A_249, %gather3A_253 : vector<16xf32>
        %xor3A_255 = arith.constant 4 : i32
        %xor3A_256 = vector.broadcast %xor3A_255 : i32 to vector<16xi32>
        %xor3A_257 = arith.xori %iota3A, %xor3A_256 : vector<16xi32>
        %broadcast_in_dim3A_258 = vector.shape_cast %xor3A_257 : vector<16xi32> to vector<16x1xi32>
        %gather3A_259 = vector.shape_cast %broadcast_in_dim3A_258 : vector<16x1xi32> to vector<16xi32>
        %gather3A_260 = tpu.dynamic_gather %add3A_254[%gather3A_259] in [0] : vector<16xf32>, vector<16xi32> -> vector<16xf32>
        %add3A_261 = arith.addf %add3A_254, %gather3A_260 : vector<16xf32>
        %xor3A_262 = arith.constant 2 : i32
        %xor3A_263 = vector.broadcast %xor3A_262 : i32 to vector<16xi32>
        %xor3A_264 = arith.xori %iota3A, %xor3A_263 : vector<16xi32>
        %broadcast_in_dim3A_265 = vector.shape_cast %xor3A_264 : vector<16xi32> to vector<16x1xi32>
        %gather3A_266 = vector.shape_cast %broadcast_in_dim3A_265 : vector<16x1xi32> to vector<16xi32>
        %gather3A_267 = tpu.dynamic_gather %add3A_261[%gather3A_266] in [0] : vector<16xf32>, vector<16xi32> -> vector<16xf32>
        %add3A_268 = arith.addf %add3A_261, %gather3A_267 : vector<16xf32>
        %xor3A_269 = arith.constant 1 : i32
        %xor3A_270 = vector.broadcast %xor3A_269 : i32 to vector<16xi32>
        %xor3A_271 = arith.xori %iota3A, %xor3A_270 : vector<16xi32>
        %broadcast_in_dim3A_272 = vector.shape_cast %xor3A_271 : vector<16xi32> to vector<16x1xi32>
        %gather3A_273 = vector.shape_cast %broadcast_in_dim3A_272 : vector<16x1xi32> to vector<16xi32>
        %gather3A_274 = tpu.dynamic_gather %add3A_268[%gather3A_273] in [0] : vector<16xf32>, vector<16xi32> -> vector<16xf32>
        %add3A_275 = arith.addf %add3A_268, %gather3A_274 : vector<16xf32>
        %add3A_276 = arith.addf %add3A_275, %get3A_62 : vector<16xf32>
        %neg3A = arith.constant 0.000000e+00 : f32
        %neg3A_277 = vector.broadcast %neg3A : f32 to vector<16xf32>
        %neg3A_278 = arith.subf %neg3A_277, %add3A_276 : vector<16xf32>
        %exp3A = math.exp %neg3A_278 : vector<16xf32>
        %add3A_279 = arith.constant 1.000000e+00 : f32
        %add3A_280 = vector.broadcast %add3A_279 : f32 to vector<16xf32>
        %add3A_281 = arith.addf %add3A_280, %exp3A : vector<16xf32>
        %div3A = arith.constant 1.000000e+00 : f32
        %div3A_282 = vector.broadcast %div3A : f32 to vector<16xf32>
        %div3A_283 = arith.divf %div3A_282, %add3A_281 : vector<16xf32>
        %get3A_284 = arith.index_cast %add3A_131 : i32 to index
        %get3A_285 = arith.constant 128 : index
        %get3A_286 = tpu.vector_load %arg16[%get3A_284, %get3A_285] {strides = array<i32>} : memref<40x256xf32, #tpu.memory_space<vmem>>, vector<1x16xf32>,
        %get3A_287 = vector.shape_cast %get3A_286 : vector<1x16xf32> to vector<16xf32>
        %mul3A_288 = arith.mulf %div3A_283, %get3A_287 : vector<16xf32>
        %swap3A = arith.index_cast %add3A_131 : i32 to index
        %swap3A_289 = arith.constant 0 : index
        %swap3A_290 = tpu.vector_load %arg20[%swap3A, %swap3A_289] {strides = array<i32>} : memref<80x128xf32, #tpu.memory_space<vmem>>, vector<1x16xf32>,
        %swap3A_291 = vector.shape_cast %swap3A_290 : vector<1x16xf32> to vector<16xf32>
        %swap3A_292 = vector.shape_cast %mul3A_288 : vector<16xf32> to vector<1x16xf32>
        tpu.vector_store %arg20[%swap3A, %swap3A_289], %swap3A_292 {strides = array<i32>} : memref<80x128xf32, #tpu.memory_space<vmem>>, vector<1x16xf32>,
        %get3A_293 = arith.index_cast %add3A_131 : i32 to index
        %get3A_294 = arith.constant 144 : index
        %get3A_295 = tpu.vector_load %arg16[%get3A_293, %get3A_294] {strides = array<i32>} : memref<40x256xf32, #tpu.memory_space<vmem>>, vector<1x16xf32>,
        %get3A_296 = vector.shape_cast %get3A_295 : vector<1x16xf32> to vector<16xf32>
        %mul3A_297 = arith.mulf %div3A_283, %get3A_296 : vector<16xf32>
        %swap3A_298 = arith.index_cast %add3A_131 : i32 to index
        %swap3A_299 = arith.constant 16 : index
        %swap3A_300 = tpu.vector_load %arg20[%swap3A_298, %swap3A_299] {strides = array<i32>} : memref<80x128xf32, #tpu.memory_space<vmem>>, vector<1x16xf32>,
        %swap3A_301 = vector.shape_cast %swap3A_300 : vector<1x16xf32> to vector<16xf32>
        %swap3A_302 = vector.shape_cast %mul3A_297 : vector<16xf32> to vector<1x16xf32>
        tpu.vector_store %arg20[%swap3A_298, %swap3A_299], %swap3A_302 {strides = array<i32>} : memref<80x128xf32, #tpu.memory_space<vmem>>, vector<1x16xf32>,
        %get3A_303 = arith.index_cast %add3A_131 : i32 to index
        %get3A_304 = arith.constant 160 : index
        %get3A_305 = tpu.vector_load %arg16[%get3A_303, %get3A_304] {strides = array<i32>} : memref<40x256xf32, #tpu.memory_space<vmem>>, vector<1x16xf32>,
        %get3A_306 = vector.shape_cast %get3A_305 : vector<1x16xf32> to vector<16xf32>
        %mul3A_307 = arith.mulf %div3A_283, %get3A_306 : vector<16xf32>
        %swap3A_308 = arith.index_cast %add3A_131 : i32 to index
        %swap3A_309 = arith.constant 32 : index
        %swap3A_310 = tpu.vector_load %arg20[%swap3A_308, %swap3A_309] {strides = array<i32>} : memref<80x128xf32, #tpu.memory_space<vmem>>, vector<1x16xf32>,
        %swap3A_311 = vector.shape_cast %swap3A_310 : vector<1x16xf32> to vector<16xf32>
        %swap3A_312 = vector.shape_cast %mul3A_307 : vector<16xf32> to vector<1x16xf32>
        tpu.vector_store %arg20[%swap3A_308, %swap3A_309], %swap3A_312 {strides = array<i32>} : memref<80x128xf32, #tpu.memory_space<vmem>>, vector<1x16xf32>,
        %get3A_313 = arith.index_cast %add3A_131 : i32 to index
        %get3A_314 = arith.constant 176 : index
        %get3A_315 = tpu.vector_load %arg16[%get3A_313, %get3A_314] {strides = array<i32>} : memref<40x256xf32, #tpu.memory_space<vmem>>, vector<1x16xf32>,
        %get3A_316 = vector.shape_cast %get3A_315 : vector<1x16xf32> to vector<16xf32>
        %mul3A_317 = arith.mulf %div3A_283, %get3A_316 : vector<16xf32>
        %swap3A_318 = arith.index_cast %add3A_131 : i32 to index
        %swap3A_319 = arith.constant 48 : index
        %swap3A_320 = tpu.vector_load %arg20[%swap3A_318, %swap3A_319] {strides = array<i32>} : memref<80x128xf32, #tpu.memory_space<vmem>>, vector<1x16xf32>,
        %swap3A_321 = vector.shape_cast %swap3A_320 : vector<1x16xf32> to vector<16xf32>
        %swap3A_322 = vector.shape_cast %mul3A_317 : vector<16xf32> to vector<1x16xf32>
        tpu.vector_store %arg20[%swap3A_318, %swap3A_319], %swap3A_322 {strides = array<i32>} : memref<80x128xf32, #tpu.memory_space<vmem>>, vector<1x16xf32>,
        %get3A_323 = arith.index_cast %add3A_131 : i32 to index
        %get3A_324 = arith.constant 192 : index
        %get3A_325 = tpu.vector_load %arg16[%get3A_323, %get3A_324] {strides = array<i32>} : memref<40x256xf32, #tpu.memory_space<vmem>>, vector<1x16xf32>,
        %get3A_326 = vector.shape_cast %get3A_325 : vector<1x16xf32> to vector<16xf32>
        %mul3A_327 = arith.mulf %div3A_283, %get3A_326 : vector<16xf32>
        %swap3A_328 = arith.index_cast %add3A_131 : i32 to index
        %swap3A_329 = arith.constant 64 : index
        %swap3A_330 = tpu.vector_load %arg20[%swap3A_328, %swap3A_329] {strides = array<i32>} : memref<80x128xf32, #tpu.memory_space<vmem>>, vector<1x16xf32>,
        %swap3A_331 = vector.shape_cast %swap3A_330 : vector<1x16xf32> to vector<16xf32>
        %swap3A_332 = vector.shape_cast %mul3A_327 : vector<16xf32> to vector<1x16xf32>
        tpu.vector_store %arg20[%swap3A_328, %swap3A_329], %swap3A_332 {strides = array<i32>} : memref<80x128xf32, #tpu.memory_space<vmem>>, vector<1x16xf32>,
        %get3A_333 = arith.index_cast %add3A_131 : i32 to index
        %get3A_334 = arith.constant 208 : index
        %get3A_335 = tpu.vector_load %arg16[%get3A_333, %get3A_334] {strides = array<i32>} : memref<40x256xf32, #tpu.memory_space<vmem>>, vector<1x16xf32>,
        %get3A_336 = vector.shape_cast %get3A_335 : vector<1x16xf32> to vector<16xf32>
        %mul3A_337 = arith.mulf %div3A_283, %get3A_336 : vector<16xf32>
        %swap3A_338 = arith.index_cast %add3A_131 : i32 to index
        %swap3A_339 = arith.constant 80 : index
        %swap3A_340 = tpu.vector_load %arg20[%swap3A_338, %swap3A_339] {strides = array<i32>} : memref<80x128xf32, #tpu.memory_space<vmem>>, vector<1x16xf32>,
        %swap3A_341 = vector.shape_cast %swap3A_340 : vector<1x16xf32> to vector<16xf32>
        %swap3A_342 = vector.shape_cast %mul3A_337 : vector<16xf32> to vector<1x16xf32>
        tpu.vector_store %arg20[%swap3A_338, %swap3A_339], %swap3A_342 {strides = array<i32>} : memref<80x128xf32, #tpu.memory_space<vmem>>, vector<1x16xf32>,
        %get3A_343 = arith.index_cast %add3A_131 : i32 to index
        %get3A_344 = arith.constant 224 : index
        %get3A_345 = tpu.vector_load %arg16[%get3A_343, %get3A_344] {strides = array<i32>} : memref<40x256xf32, #tpu.memory_space<vmem>>, vector<1x16xf32>,
        %get3A_346 = vector.shape_cast %get3A_345 : vector<1x16xf32> to vector<16xf32>
        %mul3A_347 = arith.mulf %div3A_283, %get3A_346 : vector<16xf32>
        %swap3A_348 = arith.index_cast %add3A_131 : i32 to index
        %swap3A_349 = arith.constant 96 : index
        %swap3A_350 = tpu.vector_load %arg20[%swap3A_348, %swap3A_349] {strides = array<i32>} : memref<80x128xf32, #tpu.memory_space<vmem>>, vector<1x16xf32>,
        %swap3A_351 = vector.shape_cast %swap3A_350 : vector<1x16xf32> to vector<16xf32>
        %swap3A_352 = vector.shape_cast %mul3A_347 : vector<16xf32> to vector<1x16xf32>
        tpu.vector_store %arg20[%swap3A_348, %swap3A_349], %swap3A_352 {strides = array<i32>} : memref<80x128xf32, #tpu.memory_space<vmem>>, vector<1x16xf32>,
        %get3A_353 = arith.index_cast %add3A_131 : i32 to index
        %get3A_354 = arith.constant 240 : index
        %get3A_355 = tpu.vector_load %arg16[%get3A_353, %get3A_354] {strides = array<i32>} : memref<40x256xf32, #tpu.memory_space<vmem>>, vector<1x16xf32>,
        %get3A_356 = vector.shape_cast %get3A_355 : vector<1x16xf32> to vector<16xf32>
        %mul3A_357 = arith.mulf %div3A_283, %get3A_356 : vector<16xf32>
        %swap3A_358 = arith.index_cast %add3A_131 : i32 to index
        %swap3A_359 = arith.constant 112 : index
        %swap3A_360 = tpu.vector_load %arg20[%swap3A_358, %swap3A_359] {strides = array<i32>} : memref<80x128xf32, #tpu.memory_space<vmem>>, vector<1x16xf32>,
        %swap3A_361 = vector.shape_cast %swap3A_360 : vector<1x16xf32> to vector<16xf32>
        %swap3A_362 = vector.shape_cast %mul3A_357 : vector<16xf32> to vector<1x16xf32>
        tpu.vector_store %arg20[%swap3A_358, %swap3A_359], %swap3A_362 {strides = array<i32>} : memref<80x128xf32, #tpu.memory_space<vmem>>, vector<1x16xf32>,
        %jit3A = arith.constant 16 : i32
        %div3A_363 = arith.divsi %add3A_131, %jit3A : i32
        %sign3A = arith.constant 0 : i32
        %sign3A_364 = arith.cmpi sgt, %add3A_131, %sign3A : i32
        %sign3A_365 = arith.extui %sign3A_364 : i1 to i32
        %sign3A_366 = arith.constant 0 : i32
        %sign3A_367 = arith.cmpi slt, %add3A_131, %sign3A_366 : i32
        %sign3A_368 = arith.extui %sign3A_367 : i1 to i32
        %sign3A_369 = arith.subi %sign3A_365, %sign3A_368 : i32
        %sign3A_370 = arith.constant 0 : i32
        %sign3A_371 = arith.cmpi sgt, %jit3A, %sign3A_370 : i32
        %sign3A_372 = arith.extui %sign3A_371 : i1 to i32
        %sign3A_373 = arith.constant 0 : i32
        %sign3A_374 = arith.cmpi slt, %jit3A, %sign3A_373 : i32
        %sign3A_375 = arith.extui %sign3A_374 : i1 to i32
        %sign3A_376 = arith.subi %sign3A_372, %sign3A_375 : i32
        %ne3A = arith.cmpi ne, %sign3A_369, %sign3A_376 : i32
        %rem3A = arith.remsi %add3A_131, %jit3A : i32
        %ne3A_377 = arith.constant 0 : i32
        %ne3A_378 = arith.cmpi ne, %rem3A, %ne3A_377 : i32
        %and3A = arith.andi %ne3A, %ne3A_378 : i1
        %sub3A_379 = arith.constant 1 : i32
        %sub3A_380 = arith.subi %div3A_363, %sub3A_379 : i32
        %select_n3A = arith.select %and3A, %sub3A_380, %div3A_363 : i32
        %mul3A_381 = arith.constant 16 : i32
        %mul3A_382 = arith.muli %select_n3A, %mul3A_381 : i32
        %min3A = arith.constant 24 : i32
        %min3A_383 = arith.minsi %mul3A_382, %min3A : i32
        %get3A_384 = arith.index_cast %min3A_383 : i32 to index
        %get3A_385 = tpu.vector_load %arg12[%get3A_384] {strides = array<i32>} : memref<40xi32, #tpu.memory_space<vmem>>, vector<16xi32>,
        %get3A_386 = vector.shape_cast %get3A_385 : vector<16xi32> to vector<16xi32>
        %sub3A_387 = arith.subi %add3A_131, %min3A_383 : i32
        %broadcast_in_dim3A_388 = vector.broadcast %sub3A_387 : i32 to vector<16xi32>
        %broadcast_in_dim3A_389 = vector.shape_cast %broadcast_in_dim3A_388 : vector<16xi32> to vector<16x1xi32>
        %gather3A_390 = vector.shape_cast %broadcast_in_dim3A_389 : vector<16x1xi32> to vector<16xi32>
        %gather3A_391 = tpu.dynamic_gather %get3A_386[%gather3A_390] in [0] : vector<16xi32>, vector<16xi32> -> vector<16xi32>
        %and3A_392 = arith.constant 15 : i32
        %and3A_393 = vector.broadcast %and3A_392 : i32 to vector<16xi32>
        %and3A_394 = arith.andi %gather3A_391, %and3A_393 : vector<16xi32>
        %mul3A_395 = arith.constant 2 : i32
        %mul3A_396 = vector.broadcast %mul3A_395 : i32 to vector<16xi32>
        %mul3A_397 = arith.muli %and3A_394, %mul3A_396 : vector<16xi32>
        %eq3A = arith.cmpi eq, %iota3A, %mul3A_397 : vector<16xi32>
        %add3A_398 = arith.constant 1 : i32
        %add3A_399 = vector.broadcast %add3A_398 : i32 to vector<16xi32>
        %add3A_400 = arith.addi %mul3A_397, %add3A_399 : vector<16xi32>
        %eq3A_401 = arith.cmpi eq, %iota3A, %add3A_400 : vector<16xi32>
        %jit3A_402 = arith.constant 1.000000e+00 : f32
        %jit3A_403 = arith.constant 0.000000e+00 : f32
        %broadcast_in_dim3A_404 = vector.broadcast %jit3A_402 : f32 to vector<16xf32>
        %broadcast_in_dim3A_405 = vector.broadcast %jit3A_403 : f32 to vector<16xf32>
        %select_n3A_406 = arith.select %eq3A_401, %broadcast_in_dim3A_404, %broadcast_in_dim3A_405 : vector<16xi1>, vector<16xf32>
        %select_n3A_407 = arith.select %eq3A, %div3A_283, %select_n3A_406 : vector<16xi1>, vector<16xf32>
        %add3A_408 = arith.constant 40 : i32
        %add3A_409 = arith.addi %add3A_408, %add3A_131 : i32
        %swap3A_410 = arith.index_cast %add3A_409 : i32 to index
        %swap3A_411 = arith.constant 0 : index
        %swap3A_412 = tpu.vector_load %arg20[%swap3A_410, %swap3A_411] {strides = array<i32>} : memref<80x128xf32, #tpu.memory_space<vmem>>, vector<1x16xf32>,
        %swap3A_413 = vector.shape_cast %swap3A_412 : vector<1x16xf32> to vector<16xf32>
        %swap3A_414 = vector.shape_cast %select_n3A_407 : vector<16xf32> to vector<1x16xf32>
        tpu.vector_store %arg20[%swap3A_410, %swap3A_411], %swap3A_414 {strides = array<i32>} : memref<80x128xf32, #tpu.memory_space<vmem>>, vector<1x16xf32>,
        %eq3A_415 = arith.cmpi eq, %add3A_12, %mul3A_397 : vector<16xi32>
        %add3A_416 = arith.constant 1 : i32
        %add3A_417 = vector.broadcast %add3A_416 : i32 to vector<16xi32>
        %add3A_418 = arith.addi %mul3A_397, %add3A_417 : vector<16xi32>
        %eq3A_419 = arith.cmpi eq, %add3A_12, %add3A_418 : vector<16xi32>
        %jit3A_420 = arith.constant 1.000000e+00 : f32
        %jit3A_421 = arith.constant 0.000000e+00 : f32
        %broadcast_in_dim3A_422 = vector.broadcast %jit3A_420 : f32 to vector<16xf32>
        %broadcast_in_dim3A_423 = vector.broadcast %jit3A_421 : f32 to vector<16xf32>
        %select_n3A_424 = arith.select %eq3A_419, %broadcast_in_dim3A_422, %broadcast_in_dim3A_423 : vector<16xi1>, vector<16xf32>
        %select_n3A_425 = arith.select %eq3A_415, %div3A_283, %select_n3A_424 : vector<16xi1>, vector<16xf32>
        %add3A_426 = arith.constant 40 : i32
        %add3A_427 = arith.addi %add3A_426, %add3A_131 : i32
        %swap3A_428 = arith.index_cast %add3A_427 : i32 to index
        %swap3A_429 = arith.constant 16 : index
        %swap3A_430 = tpu.vector_load %arg20[%swap3A_428, %swap3A_429] {strides = array<i32>} : memref<80x128xf32, #tpu.memory_space<vmem>>, vector<1x16xf32>,
        %swap3A_431 = vector.shape_cast %swap3A_430 : vector<1x16xf32> to vector<16xf32>
        %swap3A_432 = vector.shape_cast %select_n3A_425 : vector<16xf32> to vector<1x16xf32>
        tpu.vector_store %arg20[%swap3A_428, %swap3A_429], %swap3A_432 {strides = array<i32>} : memref<80x128xf32, #tpu.memory_space<vmem>>, vector<1x16xf32>,
      }
      %scan3A_104 = arith.constant 40 : i32
      "tpu.region"() ({
        %run_scoped3A = tpu.sem_alloc : memref<!tpu.dma_semaphore, #tpu.memory_space<semaphore_mem>>
        %dma_start3A_127 = arith.constant 0 : i32
        %dma_start3A_128 = arith.constant 0 : i32
        %dma_start3A_129 = tpu.memref_slice %arg22[%dma_start3A_127, %dma_start3A_128] : memref<10752x128xf32, #tpu.memory_space<vmem_shared>> -> memref<10752x128xf32, #tpu.memory_space<vmem_shared>>
        tpu.enqueue_indirect_dma source(%arg20 : memref<80x128xf32, #tpu.memory_space<vmem>>) target(%dma_start3A_129 : memref<10752x128xf32, #tpu.memory_space<vmem_shared>>) offsets(%arg14 : memref<80xi32, #tpu.memory_space<vmem>>) semaphore(%run_scoped3A : memref<!tpu.dma_semaphore, #tpu.memory_space<semaphore_mem>>) {add = true}
        %dma_wait3A_130 = arith.constant 0 : i32
        %dma_wait3A_131 = arith.constant 0 : i32
        %dma_wait3A_132 = tpu.memref_slice %arg22[%dma_wait3A_130, %dma_wait3A_131] : memref<10752x128xf32, #tpu.memory_space<vmem_shared>> -> memref<10752x128xf32, #tpu.memory_space<vmem_shared>>
        tpu.wait_indirect_dma semaphore(%run_scoped3A : memref<!tpu.dma_semaphore, #tpu.memory_space<semaphore_mem>>) src(%arg20 : memref<80x128xf32, #tpu.memory_space<vmem>>) dst(%dma_wait3A_132 : memref<10752x128xf32, #tpu.memory_space<vmem_shared>>)
        tpu.yield
      }) : () -> ()
      %mul3A_105 = arith.constant 2 : i32
      %mul3A_106 = arith.muli %add3A_86, %mul3A_105 : i32
      %add3A_107 = arith.constant 1 : i32
      %add3A_108 = arith.addi %mul3A_106, %add3A_107 : i32
      %add3A_109 = arith.constant 1 : i32
      %add3A_110 = arith.addi %add3A_108, %add3A_109 : i32
      %lt3A_111 = arith.constant 250 : i32
      %lt3A_112 = arith.cmpi slt, %add3A_110, %lt3A_111 : i32
      %convert_element_type3A_113 = arith.extui %lt3A_112 : i1 to i32
      %cond3A_114 = arith.constant 0 : i32
      %cond3A_115 = arith.cmpi ne, %convert_element_type3A_113, %cond3A_114 : i32
      scf.if %cond3A_115 {
        %mul3A_127 = arith.constant 40 : i32
        %mul3A_128 = arith.muli %add3A_110, %mul3A_127 : i32
        %add3A_129 = arith.addi %mul3A_9, %mul3A_128 : i32
        "tpu.region"() ({
          %run_scoped3A = tpu.sem_alloc : memref<!tpu.dma_semaphore, #tpu.memory_space<semaphore_mem>>
          %dma_start3A_138 = tpu.memref_slice %arg2[%add3A_129] : memref<320000xi32, #tpu.memory_space<hbm>> -> memref<40xi32, #tpu.memory_space<hbm>>
          %dma_start3A_139 = tpu.memref_slice %arg2[%add3A_129] : memref<320000xi32, #tpu.memory_space<hbm>> -> memref<40xi32, #tpu.memory_space<hbm>>
          tpu.enqueue_dma source(%dma_start3A_139 : memref<40xi32, #tpu.memory_space<hbm>>) target(%arg10 : memref<40xi32, #tpu.memory_space<vmem>>) target_semaphore(%run_scoped3A : memref<!tpu.dma_semaphore, #tpu.memory_space<semaphore_mem>>)
          %dma_wait3A_140 = tpu.memref_slice %arg2[%add3A_129] : memref<320000xi32, #tpu.memory_space<hbm>> -> memref<40xi32, #tpu.memory_space<hbm>>
          %dma_wait3A_141 = tpu.memref_slice %arg2[%add3A_129] : memref<320000xi32, #tpu.memory_space<hbm>> -> memref<40xi32, #tpu.memory_space<hbm>>
          tpu.wait_dma2 semaphore(%run_scoped3A : memref<!tpu.dma_semaphore, #tpu.memory_space<semaphore_mem>>) src(%dma_wait3A_141 : memref<40xi32, #tpu.memory_space<hbm>>) dst(%arg10 : memref<40xi32, #tpu.memory_space<vmem>>)
          tpu.yield
        }) : () -> ()
        "tpu.region"() ({
          %run_scoped3A = tpu.sem_alloc : memref<!tpu.dma_semaphore, #tpu.memory_space<semaphore_mem>>
          %dma_start3A_138 = tpu.memref_slice %arg3[%add3A_129] : memref<320000xi32, #tpu.memory_space<hbm>> -> memref<40xi32, #tpu.memory_space<hbm>>
          %dma_start3A_139 = tpu.memref_slice %arg3[%add3A_129] : memref<320000xi32, #tpu.memory_space<hbm>> -> memref<40xi32, #tpu.memory_space<hbm>>
          tpu.enqueue_dma source(%dma_start3A_139 : memref<40xi32, #tpu.memory_space<hbm>>) target(%arg12 : memref<40xi32, #tpu.memory_space<vmem>>) target_semaphore(%run_scoped3A : memref<!tpu.dma_semaphore, #tpu.memory_space<semaphore_mem>>)
          %dma_wait3A_140 = tpu.memref_slice %arg3[%add3A_129] : memref<320000xi32, #tpu.memory_space<hbm>> -> memref<40xi32, #tpu.memory_space<hbm>>
          %dma_wait3A_141 = tpu.memref_slice %arg3[%add3A_129] : memref<320000xi32, #tpu.memory_space<hbm>> -> memref<40xi32, #tpu.memory_space<hbm>>
          tpu.wait_dma2 semaphore(%run_scoped3A : memref<!tpu.dma_semaphore, #tpu.memory_space<semaphore_mem>>) src(%dma_wait3A_141 : memref<40xi32, #tpu.memory_space<hbm>>) dst(%arg12 : memref<40xi32, #tpu.memory_space<vmem>>)
          tpu.yield
        }) : () -> ()
        %mul3A_130 = arith.constant 2 : i32
        %mul3A_131 = arith.muli %add3A_129, %mul3A_130 : i32
        "tpu.region"() ({
          %run_scoped3A = tpu.sem_alloc : memref<!tpu.dma_semaphore, #tpu.memory_space<semaphore_mem>>
          %dma_start3A_138 = tpu.memref_slice %arg4[%mul3A_131] : memref<640000xi32, #tpu.memory_space<hbm>> -> memref<80xi32, #tpu.memory_space<hbm>>
          %dma_start3A_139 = tpu.memref_slice %arg4[%mul3A_131] : memref<640000xi32, #tpu.memory_space<hbm>> -> memref<80xi32, #tpu.memory_space<hbm>>
          tpu.enqueue_dma source(%dma_start3A_139 : memref<80xi32, #tpu.memory_space<hbm>>) target(%arg14 : memref<80xi32, #tpu.memory_space<vmem>>) target_semaphore(%run_scoped3A : memref<!tpu.dma_semaphore, #tpu.memory_space<semaphore_mem>>)
          %dma_wait3A_140 = tpu.memref_slice %arg4[%mul3A_131] : memref<640000xi32, #tpu.memory_space<hbm>> -> memref<80xi32, #tpu.memory_space<hbm>>
          %dma_wait3A_141 = tpu.memref_slice %arg4[%mul3A_131] : memref<640000xi32, #tpu.memory_space<hbm>> -> memref<80xi32, #tpu.memory_space<hbm>>
          tpu.wait_dma2 semaphore(%run_scoped3A : memref<!tpu.dma_semaphore, #tpu.memory_space<semaphore_mem>>) src(%dma_wait3A_141 : memref<80xi32, #tpu.memory_space<hbm>>) dst(%arg14 : memref<80xi32, #tpu.memory_space<vmem>>)
          tpu.yield
        }) : () -> ()
        %dma_start3A_132 = arith.constant 0 : i32
        %dma_start3A_133 = arith.constant 0 : i32
        %dma_start3A_134 = tpu.memref_slice %arg5[%dma_start3A_132, %dma_start3A_133] : memref<10000x256xf32, #tpu.memory_space<hbm>> -> memref<10000x256xf32, #tpu.memory_space<hbm>>
        tpu.enqueue_indirect_dma source(%dma_start3A_134 : memref<10000x256xf32, #tpu.memory_space<hbm>>) target(%arg16 : memref<40x256xf32, #tpu.memory_space<vmem>>) offsets(%arg10 : memref<40xi32, #tpu.memory_space<vmem>>) semaphore(%arg23 : memref<!tpu.dma_semaphore, #tpu.memory_space<semaphore_mem>>)
        %dma_start3A_135 = arith.constant 0 : i32
        %dma_start3A_136 = arith.constant 0 : i32
        %dma_start3A_137 = tpu.memref_slice %arg6[%dma_start3A_135, %dma_start3A_136] : memref<10000x128xf32, #tpu.memory_space<hbm>> -> memref<10000x128xf32, #tpu.memory_space<hbm>>
        tpu.enqueue_indirect_dma source(%dma_start3A_137 : memref<10000x128xf32, #tpu.memory_space<hbm>>) target(%arg18 : memref<40x128xf32, #tpu.memory_space<vmem>>) offsets(%arg12 : memref<40xi32, #tpu.memory_space<vmem>>) semaphore(%arg25 : memref<!tpu.dma_semaphore, #tpu.memory_space<semaphore_mem>>)
      } else {
      }
      %dma_wait3A_116 = arith.constant 0 : i32
      %dma_wait3A_117 = arith.constant 0 : i32
      %dma_wait3A_118 = tpu.memref_slice %arg5[%dma_wait3A_116, %dma_wait3A_117] : memref<10000x256xf32, #tpu.memory_space<hbm>> -> memref<10000x256xf32, #tpu.memory_space<hbm>>
      tpu.wait_indirect_dma semaphore(%arg24 : memref<!tpu.dma_semaphore, #tpu.memory_space<semaphore_mem>>) src(%dma_wait3A_118 : memref<10000x256xf32, #tpu.memory_space<hbm>>) dst(%arg17 : memref<40x256xf32, #tpu.memory_space<vmem>>)
      %dma_wait3A_119 = arith.constant 0 : i32
      %dma_wait3A_120 = arith.constant 0 : i32
      %dma_wait3A_121 = tpu.memref_slice %arg6[%dma_wait3A_119, %dma_wait3A_120] : memref<10000x128xf32, #tpu.memory_space<hbm>> -> memref<10000x128xf32, #tpu.memory_space<hbm>>
      tpu.wait_indirect_dma semaphore(%arg26 : memref<!tpu.dma_semaphore, #tpu.memory_space<semaphore_mem>>) src(%dma_wait3A_121 : memref<10000x128xf32, #tpu.memory_space<hbm>>) dst(%arg19 : memref<40x128xf32, #tpu.memory_space<vmem>>)
      %scan3A_122 = arith.constant 0 : i32
      %scan3A_123 = arith.constant 40 : i32
      %scan3A_124 = arith.addi %scan3A_122, %scan3A_123 : i32
      %scan3A_125 = arith.constant 1 : i32
      scf.for %scan3A_127 = %scan3A_122 to %scan3A_124 step %scan3A_125  : i32 {
        %mul3A_128 = arith.constant 1 : i32
        %mul3A_129 = arith.muli %scan3A_127, %mul3A_128 : i32
        %add3A_130 = arith.constant 0 : i32
        %add3A_131 = arith.addi %add3A_130, %mul3A_129 : i32
        %get3A_132 = arith.index_cast %add3A_131 : i32 to index
        %get3A_133 = arith.constant 0 : index
        %get3A_134 = tpu.vector_load %arg19[%get3A_132, %get3A_133] {strides = array<i32>} : memref<40x128xf32, #tpu.memory_space<vmem>>, vector<1x16xf32>,
        %get3A_135 = vector.shape_cast %get3A_134 : vector<1x16xf32> to vector<16xf32>
        %get3A_136 = arith.index_cast %add3A_131 : i32 to index
        %get3A_137 = arith.constant 0 : index
        %get3A_138 = tpu.vector_load %arg17[%get3A_136, %get3A_137] {strides = array<i32>} : memref<40x256xf32, #tpu.memory_space<vmem>>, vector<1x16xf32>,
        %get3A_139 = vector.shape_cast %get3A_138 : vector<1x16xf32> to vector<16xf32>
        %sub3A = arith.subf %get3A_135, %get3A_139 : vector<16xf32>
        %add3A_140 = arith.addf %sub3A, %get3A_14 : vector<16xf32>
        %max3A = arith.constant 0.000000e+00 : f32
        %max3A_141 = vector.broadcast %max3A : f32 to vector<16xf32>
        %max3A_142 = arith.maximumf %add3A_140, %max3A_141 : vector<16xf32>
        %mul3A_143 = arith.mulf %max3A_142, %get3A_38 : vector<16xf32>
        %add3A_144 = arith.addf %broadcast_in_dim3A_3, %mul3A_143 : vector<16xf32>
        %get3A_145 = arith.index_cast %add3A_131 : i32 to index
        %get3A_146 = arith.constant 16 : index
        %get3A_147 = tpu.vector_load %arg19[%get3A_145, %get3A_146] {strides = array<i32>} : memref<40x128xf32, #tpu.memory_space<vmem>>, vector<1x16xf32>,
        %get3A_148 = vector.shape_cast %get3A_147 : vector<1x16xf32> to vector<16xf32>
        %get3A_149 = arith.index_cast %add3A_131 : i32 to index
        %get3A_150 = arith.constant 16 : index
        %get3A_151 = tpu.vector_load %arg17[%get3A_149, %get3A_150] {strides = array<i32>} : memref<40x256xf32, #tpu.memory_space<vmem>>, vector<1x16xf32>,
        %get3A_152 = vector.shape_cast %get3A_151 : vector<1x16xf32> to vector<16xf32>
        %sub3A_153 = arith.subf %get3A_148, %get3A_152 : vector<16xf32>
        %add3A_154 = arith.addf %sub3A_153, %get3A_17 : vector<16xf32>
        %max3A_155 = arith.constant 0.000000e+00 : f32
        %max3A_156 = vector.broadcast %max3A_155 : f32 to vector<16xf32>
        %max3A_157 = arith.maximumf %add3A_154, %max3A_156 : vector<16xf32>
        %mul3A_158 = arith.mulf %max3A_157, %get3A_41 : vector<16xf32>
        %add3A_159 = arith.addf %add3A_144, %mul3A_158 : vector<16xf32>
        %get3A_160 = arith.index_cast %add3A_131 : i32 to index
        %get3A_161 = arith.constant 32 : index
        %get3A_162 = tpu.vector_load %arg19[%get3A_160, %get3A_161] {strides = array<i32>} : memref<40x128xf32, #tpu.memory_space<vmem>>, vector<1x16xf32>,
        %get3A_163 = vector.shape_cast %get3A_162 : vector<1x16xf32> to vector<16xf32>
        %get3A_164 = arith.index_cast %add3A_131 : i32 to index
        %get3A_165 = arith.constant 32 : index
        %get3A_166 = tpu.vector_load %arg17[%get3A_164, %get3A_165] {strides = array<i32>} : memref<40x256xf32, #tpu.memory_space<vmem>>, vector<1x16xf32>,
        %get3A_167 = vector.shape_cast %get3A_166 : vector<1x16xf32> to vector<16xf32>
        %sub3A_168 = arith.subf %get3A_163, %get3A_167 : vector<16xf32>
        %add3A_169 = arith.addf %sub3A_168, %get3A_20 : vector<16xf32>
        %max3A_170 = arith.constant 0.000000e+00 : f32
        %max3A_171 = vector.broadcast %max3A_170 : f32 to vector<16xf32>
        %max3A_172 = arith.maximumf %add3A_169, %max3A_171 : vector<16xf32>
        %mul3A_173 = arith.mulf %max3A_172, %get3A_44 : vector<16xf32>
        %add3A_174 = arith.addf %add3A_159, %mul3A_173 : vector<16xf32>
        %get3A_175 = arith.index_cast %add3A_131 : i32 to index
        %get3A_176 = arith.constant 48 : index
        %get3A_177 = tpu.vector_load %arg19[%get3A_175, %get3A_176] {strides = array<i32>} : memref<40x128xf32, #tpu.memory_space<vmem>>, vector<1x16xf32>,
        %get3A_178 = vector.shape_cast %get3A_177 : vector<1x16xf32> to vector<16xf32>
        %get3A_179 = arith.index_cast %add3A_131 : i32 to index
        %get3A_180 = arith.constant 48 : index
        %get3A_181 = tpu.vector_load %arg17[%get3A_179, %get3A_180] {strides = array<i32>} : memref<40x256xf32, #tpu.memory_space<vmem>>, vector<1x16xf32>,
        %get3A_182 = vector.shape_cast %get3A_181 : vector<1x16xf32> to vector<16xf32>
        %sub3A_183 = arith.subf %get3A_178, %get3A_182 : vector<16xf32>
        %add3A_184 = arith.addf %sub3A_183, %get3A_23 : vector<16xf32>
        %max3A_185 = arith.constant 0.000000e+00 : f32
        %max3A_186 = vector.broadcast %max3A_185 : f32 to vector<16xf32>
        %max3A_187 = arith.maximumf %add3A_184, %max3A_186 : vector<16xf32>
        %mul3A_188 = arith.mulf %max3A_187, %get3A_47 : vector<16xf32>
        %add3A_189 = arith.addf %add3A_174, %mul3A_188 : vector<16xf32>
        %get3A_190 = arith.index_cast %add3A_131 : i32 to index
        %get3A_191 = arith.constant 64 : index
        %get3A_192 = tpu.vector_load %arg19[%get3A_190, %get3A_191] {strides = array<i32>} : memref<40x128xf32, #tpu.memory_space<vmem>>, vector<1x16xf32>,
        %get3A_193 = vector.shape_cast %get3A_192 : vector<1x16xf32> to vector<16xf32>
        %get3A_194 = arith.index_cast %add3A_131 : i32 to index
        %get3A_195 = arith.constant 64 : index
        %get3A_196 = tpu.vector_load %arg17[%get3A_194, %get3A_195] {strides = array<i32>} : memref<40x256xf32, #tpu.memory_space<vmem>>, vector<1x16xf32>,
        %get3A_197 = vector.shape_cast %get3A_196 : vector<1x16xf32> to vector<16xf32>
        %sub3A_198 = arith.subf %get3A_193, %get3A_197 : vector<16xf32>
        %add3A_199 = arith.addf %sub3A_198, %get3A_26 : vector<16xf32>
        %max3A_200 = arith.constant 0.000000e+00 : f32
        %max3A_201 = vector.broadcast %max3A_200 : f32 to vector<16xf32>
        %max3A_202 = arith.maximumf %add3A_199, %max3A_201 : vector<16xf32>
        %mul3A_203 = arith.mulf %max3A_202, %get3A_50 : vector<16xf32>
        %add3A_204 = arith.addf %add3A_189, %mul3A_203 : vector<16xf32>
        %get3A_205 = arith.index_cast %add3A_131 : i32 to index
        %get3A_206 = arith.constant 80 : index
        %get3A_207 = tpu.vector_load %arg19[%get3A_205, %get3A_206] {strides = array<i32>} : memref<40x128xf32, #tpu.memory_space<vmem>>, vector<1x16xf32>,
        %get3A_208 = vector.shape_cast %get3A_207 : vector<1x16xf32> to vector<16xf32>
        %get3A_209 = arith.index_cast %add3A_131 : i32 to index
        %get3A_210 = arith.constant 80 : index
        %get3A_211 = tpu.vector_load %arg17[%get3A_209, %get3A_210] {strides = array<i32>} : memref<40x256xf32, #tpu.memory_space<vmem>>, vector<1x16xf32>,
        %get3A_212 = vector.shape_cast %get3A_211 : vector<1x16xf32> to vector<16xf32>
        %sub3A_213 = arith.subf %get3A_208, %get3A_212 : vector<16xf32>
        %add3A_214 = arith.addf %sub3A_213, %get3A_29 : vector<16xf32>
        %max3A_215 = arith.constant 0.000000e+00 : f32
        %max3A_216 = vector.broadcast %max3A_215 : f32 to vector<16xf32>
        %max3A_217 = arith.maximumf %add3A_214, %max3A_216 : vector<16xf32>
        %mul3A_218 = arith.mulf %max3A_217, %get3A_53 : vector<16xf32>
        %add3A_219 = arith.addf %add3A_204, %mul3A_218 : vector<16xf32>
        %get3A_220 = arith.index_cast %add3A_131 : i32 to index
        %get3A_221 = arith.constant 96 : index
        %get3A_222 = tpu.vector_load %arg19[%get3A_220, %get3A_221] {strides = array<i32>} : memref<40x128xf32, #tpu.memory_space<vmem>>, vector<1x16xf32>,
        %get3A_223 = vector.shape_cast %get3A_222 : vector<1x16xf32> to vector<16xf32>
        %get3A_224 = arith.index_cast %add3A_131 : i32 to index
        %get3A_225 = arith.constant 96 : index
        %get3A_226 = tpu.vector_load %arg17[%get3A_224, %get3A_225] {strides = array<i32>} : memref<40x256xf32, #tpu.memory_space<vmem>>, vector<1x16xf32>,
        %get3A_227 = vector.shape_cast %get3A_226 : vector<1x16xf32> to vector<16xf32>
        %sub3A_228 = arith.subf %get3A_223, %get3A_227 : vector<16xf32>
        %add3A_229 = arith.addf %sub3A_228, %get3A_32 : vector<16xf32>
        %max3A_230 = arith.constant 0.000000e+00 : f32
        %max3A_231 = vector.broadcast %max3A_230 : f32 to vector<16xf32>
        %max3A_232 = arith.maximumf %add3A_229, %max3A_231 : vector<16xf32>
        %mul3A_233 = arith.mulf %max3A_232, %get3A_56 : vector<16xf32>
        %add3A_234 = arith.addf %add3A_219, %mul3A_233 : vector<16xf32>
        %get3A_235 = arith.index_cast %add3A_131 : i32 to index
        %get3A_236 = arith.constant 112 : index
        %get3A_237 = tpu.vector_load %arg19[%get3A_235, %get3A_236] {strides = array<i32>} : memref<40x128xf32, #tpu.memory_space<vmem>>, vector<1x16xf32>,
        %get3A_238 = vector.shape_cast %get3A_237 : vector<1x16xf32> to vector<16xf32>
        %get3A_239 = arith.index_cast %add3A_131 : i32 to index
        %get3A_240 = arith.constant 112 : index
        %get3A_241 = tpu.vector_load %arg17[%get3A_239, %get3A_240] {strides = array<i32>} : memref<40x256xf32, #tpu.memory_space<vmem>>, vector<1x16xf32>,
        %get3A_242 = vector.shape_cast %get3A_241 : vector<1x16xf32> to vector<16xf32>
        %sub3A_243 = arith.subf %get3A_238, %get3A_242 : vector<16xf32>
        %add3A_244 = arith.addf %sub3A_243, %get3A_35 : vector<16xf32>
        %max3A_245 = arith.constant 0.000000e+00 : f32
        %max3A_246 = vector.broadcast %max3A_245 : f32 to vector<16xf32>
        %max3A_247 = arith.maximumf %add3A_244, %max3A_246 : vector<16xf32>
        %mul3A_248 = arith.mulf %max3A_247, %get3A_59 : vector<16xf32>
        %add3A_249 = arith.addf %add3A_234, %mul3A_248 : vector<16xf32>
        %xor3A = arith.constant 8 : i32
        %xor3A_250 = vector.broadcast %xor3A : i32 to vector<16xi32>
        %xor3A_251 = arith.xori %iota3A, %xor3A_250 : vector<16xi32>
        %broadcast_in_dim3A_252 = vector.shape_cast %xor3A_251 : vector<16xi32> to vector<16x1xi32>
        %gather3A = vector.shape_cast %broadcast_in_dim3A_252 : vector<16x1xi32> to vector<16xi32>
        %gather3A_253 = tpu.dynamic_gather %add3A_249[%gather3A] in [0] : vector<16xf32>, vector<16xi32> -> vector<16xf32>
        %add3A_254 = arith.addf %add3A_249, %gather3A_253 : vector<16xf32>
        %xor3A_255 = arith.constant 4 : i32
        %xor3A_256 = vector.broadcast %xor3A_255 : i32 to vector<16xi32>
        %xor3A_257 = arith.xori %iota3A, %xor3A_256 : vector<16xi32>
        %broadcast_in_dim3A_258 = vector.shape_cast %xor3A_257 : vector<16xi32> to vector<16x1xi32>
        %gather3A_259 = vector.shape_cast %broadcast_in_dim3A_258 : vector<16x1xi32> to vector<16xi32>
        %gather3A_260 = tpu.dynamic_gather %add3A_254[%gather3A_259] in [0] : vector<16xf32>, vector<16xi32> -> vector<16xf32>
        %add3A_261 = arith.addf %add3A_254, %gather3A_260 : vector<16xf32>
        %xor3A_262 = arith.constant 2 : i32
        %xor3A_263 = vector.broadcast %xor3A_262 : i32 to vector<16xi32>
        %xor3A_264 = arith.xori %iota3A, %xor3A_263 : vector<16xi32>
        %broadcast_in_dim3A_265 = vector.shape_cast %xor3A_264 : vector<16xi32> to vector<16x1xi32>
        %gather3A_266 = vector.shape_cast %broadcast_in_dim3A_265 : vector<16x1xi32> to vector<16xi32>
        %gather3A_267 = tpu.dynamic_gather %add3A_261[%gather3A_266] in [0] : vector<16xf32>, vector<16xi32> -> vector<16xf32>
        %add3A_268 = arith.addf %add3A_261, %gather3A_267 : vector<16xf32>
        %xor3A_269 = arith.constant 1 : i32
        %xor3A_270 = vector.broadcast %xor3A_269 : i32 to vector<16xi32>
        %xor3A_271 = arith.xori %iota3A, %xor3A_270 : vector<16xi32>
        %broadcast_in_dim3A_272 = vector.shape_cast %xor3A_271 : vector<16xi32> to vector<16x1xi32>
        %gather3A_273 = vector.shape_cast %broadcast_in_dim3A_272 : vector<16x1xi32> to vector<16xi32>
        %gather3A_274 = tpu.dynamic_gather %add3A_268[%gather3A_273] in [0] : vector<16xf32>, vector<16xi32> -> vector<16xf32>
        %add3A_275 = arith.addf %add3A_268, %gather3A_274 : vector<16xf32>
        %add3A_276 = arith.addf %add3A_275, %get3A_62 : vector<16xf32>
        %neg3A = arith.constant 0.000000e+00 : f32
        %neg3A_277 = vector.broadcast %neg3A : f32 to vector<16xf32>
        %neg3A_278 = arith.subf %neg3A_277, %add3A_276 : vector<16xf32>
        %exp3A = math.exp %neg3A_278 : vector<16xf32>
        %add3A_279 = arith.constant 1.000000e+00 : f32
        %add3A_280 = vector.broadcast %add3A_279 : f32 to vector<16xf32>
        %add3A_281 = arith.addf %add3A_280, %exp3A : vector<16xf32>
        %div3A = arith.constant 1.000000e+00 : f32
        %div3A_282 = vector.broadcast %div3A : f32 to vector<16xf32>
        %div3A_283 = arith.divf %div3A_282, %add3A_281 : vector<16xf32>
        %get3A_284 = arith.index_cast %add3A_131 : i32 to index
        %get3A_285 = arith.constant 128 : index
        %get3A_286 = tpu.vector_load %arg17[%get3A_284, %get3A_285] {strides = array<i32>} : memref<40x256xf32, #tpu.memory_space<vmem>>, vector<1x16xf32>,
        %get3A_287 = vector.shape_cast %get3A_286 : vector<1x16xf32> to vector<16xf32>
        %mul3A_288 = arith.mulf %div3A_283, %get3A_287 : vector<16xf32>
        %swap3A = arith.index_cast %add3A_131 : i32 to index
        %swap3A_289 = arith.constant 0 : index
        %swap3A_290 = tpu.vector_load %arg20[%swap3A, %swap3A_289] {strides = array<i32>} : memref<80x128xf32, #tpu.memory_space<vmem>>, vector<1x16xf32>,
        %swap3A_291 = vector.shape_cast %swap3A_290 : vector<1x16xf32> to vector<16xf32>
        %swap3A_292 = vector.shape_cast %mul3A_288 : vector<16xf32> to vector<1x16xf32>
        tpu.vector_store %arg20[%swap3A, %swap3A_289], %swap3A_292 {strides = array<i32>} : memref<80x128xf32, #tpu.memory_space<vmem>>, vector<1x16xf32>,
        %get3A_293 = arith.index_cast %add3A_131 : i32 to index
        %get3A_294 = arith.constant 144 : index
        %get3A_295 = tpu.vector_load %arg17[%get3A_293, %get3A_294] {strides = array<i32>} : memref<40x256xf32, #tpu.memory_space<vmem>>, vector<1x16xf32>,
        %get3A_296 = vector.shape_cast %get3A_295 : vector<1x16xf32> to vector<16xf32>
        %mul3A_297 = arith.mulf %div3A_283, %get3A_296 : vector<16xf32>
        %swap3A_298 = arith.index_cast %add3A_131 : i32 to index
        %swap3A_299 = arith.constant 16 : index
        %swap3A_300 = tpu.vector_load %arg20[%swap3A_298, %swap3A_299] {strides = array<i32>} : memref<80x128xf32, #tpu.memory_space<vmem>>, vector<1x16xf32>,
        %swap3A_301 = vector.shape_cast %swap3A_300 : vector<1x16xf32> to vector<16xf32>
        %swap3A_302 = vector.shape_cast %mul3A_297 : vector<16xf32> to vector<1x16xf32>
        tpu.vector_store %arg20[%swap3A_298, %swap3A_299], %swap3A_302 {strides = array<i32>} : memref<80x128xf32, #tpu.memory_space<vmem>>, vector<1x16xf32>,
        %get3A_303 = arith.index_cast %add3A_131 : i32 to index
        %get3A_304 = arith.constant 160 : index
        %get3A_305 = tpu.vector_load %arg17[%get3A_303, %get3A_304] {strides = array<i32>} : memref<40x256xf32, #tpu.memory_space<vmem>>, vector<1x16xf32>,
        %get3A_306 = vector.shape_cast %get3A_305 : vector<1x16xf32> to vector<16xf32>
        %mul3A_307 = arith.mulf %div3A_283, %get3A_306 : vector<16xf32>
        %swap3A_308 = arith.index_cast %add3A_131 : i32 to index
        %swap3A_309 = arith.constant 32 : index
        %swap3A_310 = tpu.vector_load %arg20[%swap3A_308, %swap3A_309] {strides = array<i32>} : memref<80x128xf32, #tpu.memory_space<vmem>>, vector<1x16xf32>,
        %swap3A_311 = vector.shape_cast %swap3A_310 : vector<1x16xf32> to vector<16xf32>
        %swap3A_312 = vector.shape_cast %mul3A_307 : vector<16xf32> to vector<1x16xf32>
        tpu.vector_store %arg20[%swap3A_308, %swap3A_309], %swap3A_312 {strides = array<i32>} : memref<80x128xf32, #tpu.memory_space<vmem>>, vector<1x16xf32>,
        %get3A_313 = arith.index_cast %add3A_131 : i32 to index
        %get3A_314 = arith.constant 176 : index
        %get3A_315 = tpu.vector_load %arg17[%get3A_313, %get3A_314] {strides = array<i32>} : memref<40x256xf32, #tpu.memory_space<vmem>>, vector<1x16xf32>,
        %get3A_316 = vector.shape_cast %get3A_315 : vector<1x16xf32> to vector<16xf32>
        %mul3A_317 = arith.mulf %div3A_283, %get3A_316 : vector<16xf32>
        %swap3A_318 = arith.index_cast %add3A_131 : i32 to index
        %swap3A_319 = arith.constant 48 : index
        %swap3A_320 = tpu.vector_load %arg20[%swap3A_318, %swap3A_319] {strides = array<i32>} : memref<80x128xf32, #tpu.memory_space<vmem>>, vector<1x16xf32>,
        %swap3A_321 = vector.shape_cast %swap3A_320 : vector<1x16xf32> to vector<16xf32>
        %swap3A_322 = vector.shape_cast %mul3A_317 : vector<16xf32> to vector<1x16xf32>
        tpu.vector_store %arg20[%swap3A_318, %swap3A_319], %swap3A_322 {strides = array<i32>} : memref<80x128xf32, #tpu.memory_space<vmem>>, vector<1x16xf32>,
        %get3A_323 = arith.index_cast %add3A_131 : i32 to index
        %get3A_324 = arith.constant 192 : index
        %get3A_325 = tpu.vector_load %arg17[%get3A_323, %get3A_324] {strides = array<i32>} : memref<40x256xf32, #tpu.memory_space<vmem>>, vector<1x16xf32>,
        %get3A_326 = vector.shape_cast %get3A_325 : vector<1x16xf32> to vector<16xf32>
        %mul3A_327 = arith.mulf %div3A_283, %get3A_326 : vector<16xf32>
        %swap3A_328 = arith.index_cast %add3A_131 : i32 to index
        %swap3A_329 = arith.constant 64 : index
        %swap3A_330 = tpu.vector_load %arg20[%swap3A_328, %swap3A_329] {strides = array<i32>} : memref<80x128xf32, #tpu.memory_space<vmem>>, vector<1x16xf32>,
        %swap3A_331 = vector.shape_cast %swap3A_330 : vector<1x16xf32> to vector<16xf32>
        %swap3A_332 = vector.shape_cast %mul3A_327 : vector<16xf32> to vector<1x16xf32>
        tpu.vector_store %arg20[%swap3A_328, %swap3A_329], %swap3A_332 {strides = array<i32>} : memref<80x128xf32, #tpu.memory_space<vmem>>, vector<1x16xf32>,
        %get3A_333 = arith.index_cast %add3A_131 : i32 to index
        %get3A_334 = arith.constant 208 : index
        %get3A_335 = tpu.vector_load %arg17[%get3A_333, %get3A_334] {strides = array<i32>} : memref<40x256xf32, #tpu.memory_space<vmem>>, vector<1x16xf32>,
        %get3A_336 = vector.shape_cast %get3A_335 : vector<1x16xf32> to vector<16xf32>
        %mul3A_337 = arith.mulf %div3A_283, %get3A_336 : vector<16xf32>
        %swap3A_338 = arith.index_cast %add3A_131 : i32 to index
        %swap3A_339 = arith.constant 80 : index
        %swap3A_340 = tpu.vector_load %arg20[%swap3A_338, %swap3A_339] {strides = array<i32>} : memref<80x128xf32, #tpu.memory_space<vmem>>, vector<1x16xf32>,
        %swap3A_341 = vector.shape_cast %swap3A_340 : vector<1x16xf32> to vector<16xf32>
        %swap3A_342 = vector.shape_cast %mul3A_337 : vector<16xf32> to vector<1x16xf32>
        tpu.vector_store %arg20[%swap3A_338, %swap3A_339], %swap3A_342 {strides = array<i32>} : memref<80x128xf32, #tpu.memory_space<vmem>>, vector<1x16xf32>,
        %get3A_343 = arith.index_cast %add3A_131 : i32 to index
        %get3A_344 = arith.constant 224 : index
        %get3A_345 = tpu.vector_load %arg17[%get3A_343, %get3A_344] {strides = array<i32>} : memref<40x256xf32, #tpu.memory_space<vmem>>, vector<1x16xf32>,
        %get3A_346 = vector.shape_cast %get3A_345 : vector<1x16xf32> to vector<16xf32>
        %mul3A_347 = arith.mulf %div3A_283, %get3A_346 : vector<16xf32>
        %swap3A_348 = arith.index_cast %add3A_131 : i32 to index
        %swap3A_349 = arith.constant 96 : index
        %swap3A_350 = tpu.vector_load %arg20[%swap3A_348, %swap3A_349] {strides = array<i32>} : memref<80x128xf32, #tpu.memory_space<vmem>>, vector<1x16xf32>,
        %swap3A_351 = vector.shape_cast %swap3A_350 : vector<1x16xf32> to vector<16xf32>
        %swap3A_352 = vector.shape_cast %mul3A_347 : vector<16xf32> to vector<1x16xf32>
        tpu.vector_store %arg20[%swap3A_348, %swap3A_349], %swap3A_352 {strides = array<i32>} : memref<80x128xf32, #tpu.memory_space<vmem>>, vector<1x16xf32>,
        %get3A_353 = arith.index_cast %add3A_131 : i32 to index
        %get3A_354 = arith.constant 240 : index
        %get3A_355 = tpu.vector_load %arg17[%get3A_353, %get3A_354] {strides = array<i32>} : memref<40x256xf32, #tpu.memory_space<vmem>>, vector<1x16xf32>,
        %get3A_356 = vector.shape_cast %get3A_355 : vector<1x16xf32> to vector<16xf32>
        %mul3A_357 = arith.mulf %div3A_283, %get3A_356 : vector<16xf32>
        %swap3A_358 = arith.index_cast %add3A_131 : i32 to index
        %swap3A_359 = arith.constant 112 : index
        %swap3A_360 = tpu.vector_load %arg20[%swap3A_358, %swap3A_359] {strides = array<i32>} : memref<80x128xf32, #tpu.memory_space<vmem>>, vector<1x16xf32>,
        %swap3A_361 = vector.shape_cast %swap3A_360 : vector<1x16xf32> to vector<16xf32>
        %swap3A_362 = vector.shape_cast %mul3A_357 : vector<16xf32> to vector<1x16xf32>
        tpu.vector_store %arg20[%swap3A_358, %swap3A_359], %swap3A_362 {strides = array<i32>} : memref<80x128xf32, #tpu.memory_space<vmem>>, vector<1x16xf32>,
        %jit3A = arith.constant 16 : i32
        %div3A_363 = arith.divsi %add3A_131, %jit3A : i32
        %sign3A = arith.constant 0 : i32
        %sign3A_364 = arith.cmpi sgt, %add3A_131, %sign3A : i32
        %sign3A_365 = arith.extui %sign3A_364 : i1 to i32
        %sign3A_366 = arith.constant 0 : i32
        %sign3A_367 = arith.cmpi slt, %add3A_131, %sign3A_366 : i32
        %sign3A_368 = arith.extui %sign3A_367 : i1 to i32
        %sign3A_369 = arith.subi %sign3A_365, %sign3A_368 : i32
        %sign3A_370 = arith.constant 0 : i32
        %sign3A_371 = arith.cmpi sgt, %jit3A, %sign3A_370 : i32
        %sign3A_372 = arith.extui %sign3A_371 : i1 to i32
        %sign3A_373 = arith.constant 0 : i32
        %sign3A_374 = arith.cmpi slt, %jit3A, %sign3A_373 : i32
        %sign3A_375 = arith.extui %sign3A_374 : i1 to i32
        %sign3A_376 = arith.subi %sign3A_372, %sign3A_375 : i32
        %ne3A = arith.cmpi ne, %sign3A_369, %sign3A_376 : i32
        %rem3A = arith.remsi %add3A_131, %jit3A : i32
        %ne3A_377 = arith.constant 0 : i32
        %ne3A_378 = arith.cmpi ne, %rem3A, %ne3A_377 : i32
        %and3A = arith.andi %ne3A, %ne3A_378 : i1
        %sub3A_379 = arith.constant 1 : i32
        %sub3A_380 = arith.subi %div3A_363, %sub3A_379 : i32
        %select_n3A = arith.select %and3A, %sub3A_380, %div3A_363 : i32
        %mul3A_381 = arith.constant 16 : i32
        %mul3A_382 = arith.muli %select_n3A, %mul3A_381 : i32
        %min3A = arith.constant 24 : i32
        %min3A_383 = arith.minsi %mul3A_382, %min3A : i32
        %get3A_384 = arith.index_cast %min3A_383 : i32 to index
        %get3A_385 = tpu.vector_load %arg13[%get3A_384] {strides = array<i32>} : memref<40xi32, #tpu.memory_space<vmem>>, vector<16xi32>,
        %get3A_386 = vector.shape_cast %get3A_385 : vector<16xi32> to vector<16xi32>
        %sub3A_387 = arith.subi %add3A_131, %min3A_383 : i32
        %broadcast_in_dim3A_388 = vector.broadcast %sub3A_387 : i32 to vector<16xi32>
        %broadcast_in_dim3A_389 = vector.shape_cast %broadcast_in_dim3A_388 : vector<16xi32> to vector<16x1xi32>
        %gather3A_390 = vector.shape_cast %broadcast_in_dim3A_389 : vector<16x1xi32> to vector<16xi32>
        %gather3A_391 = tpu.dynamic_gather %get3A_386[%gather3A_390] in [0] : vector<16xi32>, vector<16xi32> -> vector<16xi32>
        %and3A_392 = arith.constant 15 : i32
        %and3A_393 = vector.broadcast %and3A_392 : i32 to vector<16xi32>
        %and3A_394 = arith.andi %gather3A_391, %and3A_393 : vector<16xi32>
        %mul3A_395 = arith.constant 2 : i32
        %mul3A_396 = vector.broadcast %mul3A_395 : i32 to vector<16xi32>
        %mul3A_397 = arith.muli %and3A_394, %mul3A_396 : vector<16xi32>
        %eq3A = arith.cmpi eq, %iota3A, %mul3A_397 : vector<16xi32>
        %add3A_398 = arith.constant 1 : i32
        %add3A_399 = vector.broadcast %add3A_398 : i32 to vector<16xi32>
        %add3A_400 = arith.addi %mul3A_397, %add3A_399 : vector<16xi32>
        %eq3A_401 = arith.cmpi eq, %iota3A, %add3A_400 : vector<16xi32>
        %jit3A_402 = arith.constant 1.000000e+00 : f32
        %jit3A_403 = arith.constant 0.000000e+00 : f32
        %broadcast_in_dim3A_404 = vector.broadcast %jit3A_402 : f32 to vector<16xf32>
        %broadcast_in_dim3A_405 = vector.broadcast %jit3A_403 : f32 to vector<16xf32>
        %select_n3A_406 = arith.select %eq3A_401, %broadcast_in_dim3A_404, %broadcast_in_dim3A_405 : vector<16xi1>, vector<16xf32>
        %select_n3A_407 = arith.select %eq3A, %div3A_283, %select_n3A_406 : vector<16xi1>, vector<16xf32>
        %add3A_408 = arith.constant 40 : i32
        %add3A_409 = arith.addi %add3A_408, %add3A_131 : i32
        %swap3A_410 = arith.index_cast %add3A_409 : i32 to index
        %swap3A_411 = arith.constant 0 : index
        %swap3A_412 = tpu.vector_load %arg20[%swap3A_410, %swap3A_411] {strides = array<i32>} : memref<80x128xf32, #tpu.memory_space<vmem>>, vector<1x16xf32>,
        %swap3A_413 = vector.shape_cast %swap3A_412 : vector<1x16xf32> to vector<16xf32>
        %swap3A_414 = vector.shape_cast %select_n3A_407 : vector<16xf32> to vector<1x16xf32>
        tpu.vector_store %arg20[%swap3A_410, %swap3A_411], %swap3A_414 {strides = array<i32>} : memref<80x128xf32, #tpu.memory_space<vmem>>, vector<1x16xf32>,
        %eq3A_415 = arith.cmpi eq, %add3A_12, %mul3A_397 : vector<16xi32>
        %add3A_416 = arith.constant 1 : i32
        %add3A_417 = vector.broadcast %add3A_416 : i32 to vector<16xi32>
        %add3A_418 = arith.addi %mul3A_397, %add3A_417 : vector<16xi32>
        %eq3A_419 = arith.cmpi eq, %add3A_12, %add3A_418 : vector<16xi32>
        %jit3A_420 = arith.constant 1.000000e+00 : f32
        %jit3A_421 = arith.constant 0.000000e+00 : f32
        %broadcast_in_dim3A_422 = vector.broadcast %jit3A_420 : f32 to vector<16xf32>
        %broadcast_in_dim3A_423 = vector.broadcast %jit3A_421 : f32 to vector<16xf32>
        %select_n3A_424 = arith.select %eq3A_419, %broadcast_in_dim3A_422, %broadcast_in_dim3A_423 : vector<16xi1>, vector<16xf32>
        %select_n3A_425 = arith.select %eq3A_415, %div3A_283, %select_n3A_424 : vector<16xi1>, vector<16xf32>
        %add3A_426 = arith.constant 40 : i32
        %add3A_427 = arith.addi %add3A_426, %add3A_131 : i32
        %swap3A_428 = arith.index_cast %add3A_427 : i32 to index
        %swap3A_429 = arith.constant 16 : index
        %swap3A_430 = tpu.vector_load %arg20[%swap3A_428, %swap3A_429] {strides = array<i32>} : memref<80x128xf32, #tpu.memory_space<vmem>>, vector<1x16xf32>,
        %swap3A_431 = vector.shape_cast %swap3A_430 : vector<1x16xf32> to vector<16xf32>
        %swap3A_432 = vector.shape_cast %select_n3A_425 : vector<16xf32> to vector<1x16xf32>
        tpu.vector_store %arg20[%swap3A_428, %swap3A_429], %swap3A_432 {strides = array<i32>} : memref<80x128xf32, #tpu.memory_space<vmem>>, vector<1x16xf32>,
      }
      %scan3A_126 = arith.constant 40 : i32
      "tpu.region"() ({
        %run_scoped3A = tpu.sem_alloc : memref<!tpu.dma_semaphore, #tpu.memory_space<semaphore_mem>>
        %dma_start3A_127 = arith.constant 0 : i32
        %dma_start3A_128 = arith.constant 0 : i32
        %dma_start3A_129 = tpu.memref_slice %arg22[%dma_start3A_127, %dma_start3A_128] : memref<10752x128xf32, #tpu.memory_space<vmem_shared>> -> memref<10752x128xf32, #tpu.memory_space<vmem_shared>>
        tpu.enqueue_indirect_dma source(%arg20 : memref<80x128xf32, #tpu.memory_space<vmem>>) target(%dma_start3A_129 : memref<10752x128xf32, #tpu.memory_space<vmem_shared>>) offsets(%arg15 : memref<80xi32, #tpu.memory_space<vmem>>) semaphore(%run_scoped3A : memref<!tpu.dma_semaphore, #tpu.memory_space<semaphore_mem>>) {add = true}
        %dma_wait3A_130 = arith.constant 0 : i32
        %dma_wait3A_131 = arith.constant 0 : i32
        %dma_wait3A_132 = tpu.memref_slice %arg22[%dma_wait3A_130, %dma_wait3A_131] : memref<10752x128xf32, #tpu.memory_space<vmem_shared>> -> memref<10752x128xf32, #tpu.memory_space<vmem_shared>>
        tpu.wait_indirect_dma semaphore(%run_scoped3A : memref<!tpu.dma_semaphore, #tpu.memory_space<semaphore_mem>>) src(%arg20 : memref<80x128xf32, #tpu.memory_space<vmem>>) dst(%dma_wait3A_132 : memref<10752x128xf32, #tpu.memory_space<vmem_shared>>)
        tpu.yield
      }) : () -> ()
    }
    %scan3A_76 = arith.constant 125 : i32
    %barrier3A_77 = arith.constant 0 : index
    tpu.barrier barrier_id(%barrier3A_77)
    %mul3A_78 = arith.constant 672 : i32
    %mul3A_79 = arith.muli %arg1, %mul3A_78 : i32
    %mul3A_80 = arith.constant 672 : i32
    %mul3A_81 = arith.muli %arg1, %mul3A_80 : i32
    "tpu.region"() ({
      %run_scoped3A = tpu.sem_alloc : memref<!tpu.dma_semaphore, #tpu.memory_space<semaphore_mem>>
      %dma_start3A_82 = arith.constant 0 : i32
      %dma_start3A_83 = tpu.memref_slice %arg9[%arg0, %mul3A_81, %dma_start3A_82] : memref<2x10752x128xf32, #tpu.memory_space<hbm>> -> memref<1x672x128xf32, #tpu.memory_space<hbm>>
      %dma_start3A_84 = tpu.memref_squeeze %dma_start3A_83 : memref<1x672x128xf32, #tpu.memory_space<hbm>> -> memref<672x128xf32, #tpu.memory_space<hbm>>
      %dma_start3A_85 = arith.constant 0 : i32
      %dma_start3A_86 = tpu.memref_slice %arg22[%mul3A_79, %dma_start3A_85] : memref<10752x128xf32, #tpu.memory_space<vmem_shared>> -> memref<672x128xf32, #tpu.memory_space<vmem_shared>>
      tpu.enqueue_dma source(%dma_start3A_86 : memref<672x128xf32, #tpu.memory_space<vmem_shared>>) target(%dma_start3A_84 : memref<672x128xf32, #tpu.memory_space<hbm>>) target_semaphore(%run_scoped3A : memref<!tpu.dma_semaphore, #tpu.memory_space<semaphore_mem>>)
      %dma_wait3A = arith.constant 0 : i32
      %dma_wait3A_87 = tpu.memref_slice %arg9[%arg0, %mul3A_81, %dma_wait3A] : memref<2x10752x128xf32, #tpu.memory_space<hbm>> -> memref<1x672x128xf32, #tpu.memory_space<hbm>>
      %dma_wait3A_88 = tpu.memref_squeeze %dma_wait3A_87 : memref<1x672x128xf32, #tpu.memory_space<hbm>> -> memref<672x128xf32, #tpu.memory_space<hbm>>
      %dma_wait3A_89 = arith.constant 0 : i32
      %dma_wait3A_90 = tpu.memref_slice %arg22[%mul3A_79, %dma_wait3A_89] : memref<10752x128xf32, #tpu.memory_space<vmem_shared>> -> memref<672x128xf32, #tpu.memory_space<vmem_shared>>
      tpu.wait_dma2 semaphore(%run_scoped3A : memref<!tpu.dma_semaphore, #tpu.memory_space<semaphore_mem>>) src(%dma_wait3A_90 : memref<672x128xf32, #tpu.memory_space<vmem_shared>>) dst(%dma_wait3A_88 : memref<672x128xf32, #tpu.memory_space<hbm>>)
      tpu.yield
    }) : () -> ()
    return
  }
}

module attributes {stable_mosaic.version = 14 : i64} {
  func.func @_prep_body(%arg0: i32, %arg1: memref<2000x128xf32, #tpu.memory_space<vmem>>, %arg2: memref<128x128xf32, #tpu.memory_space<vmem>>, %arg3: memref<2000x256xf32, #tpu.memory_space<vmem>>, %arg4: memref<2000x128xf32, #tpu.memory_space<vmem>>) attributes {dimension_semantics = [#tpu.dimension_semantics<arbitrary>], iteration_bounds = array<i64: 5>, scalar_prefetch = 0 : i64, scratch_operands = 0 : i64, tpu.core_type = #tpu.core_type<tc>, window_params = [{transform_indices = @transform_0, window_bounds = array<i64: 2000, 128>}, {pipeline_mode = #tpu.pipeline_mode<synchronous>, transform_indices = @transform_1, window_bounds = array<i64: 128, 128>}, {transform_indices = @transform_2, window_bounds = array<i64: 2000, 256>}, {transform_indices = @transform_3, window_bounds = array<i64: 2000, 128>}]} {
    %get3A = arith.constant 0 : index
    %get3A_0 = arith.constant 0 : index
    %get3A_1 = vector.load %arg1[%get3A, %get3A_0] : memref<2000x128xf32, #tpu.memory_space<vmem>>, vector<2000x128xf32>
    %get3A_2 = arith.constant 0 : index
    %get3A_3 = arith.constant 0 : index
    %get3A_4 = vector.load %arg2[%get3A_2, %get3A_3] : memref<128x128xf32, #tpu.memory_space<vmem>>, vector<128x128xf32>
    %dot_general3A = arith.constant dense<0.000000e+00> : vector<2000x128xf32>
    %dot_general3A_5 = tpu.matmul %get3A_1, %get3A_4, %dot_general3A {dimension_numbers = #tpu.dot_dimension_numbers<[1], [0], [0], [1], [0, 0, 1, 1], [], []>, transpose_lhs_hint = false} : vector<2000x128xf32>, vector<128x128xf32>, vector<2000x128xf32> -> vector<2000x128xf32>
    %swap3A = arith.constant 0 : index
    %swap3A_6 = arith.constant 0 : index
    %swap3A_7 = vector.load %arg4[%swap3A, %swap3A_6] : memref<2000x128xf32, #tpu.memory_space<vmem>>, vector<2000x128xf32>
    tpu.vector_store %arg4[%swap3A, %swap3A_6], %dot_general3A_5 {strides = array<i32>} : memref<2000x128xf32, #tpu.memory_space<vmem>>, vector<2000x128xf32>,
    %get3A_8 = arith.constant 0 : index
    %get3A_9 = arith.constant 0 : index
    %get3A_10 = vector.load %arg1[%get3A_8, %get3A_9] : memref<2000x128xf32, #tpu.memory_space<vmem>>, vector<2000x128xf32>
    %concatenate3A = tpu.concatenate %dot_general3A_5, %get3A_10 in 1 : vector<2000x128xf32>, vector<2000x128xf32> -> vector<2000x256xf32>
    %swap3A_11 = arith.constant 0 : index
    %swap3A_12 = arith.constant 0 : index
    %swap3A_13 = vector.load %arg3[%swap3A_11, %swap3A_12] : memref<2000x256xf32, #tpu.memory_space<vmem>>, vector<2000x256xf32>
    tpu.vector_store %arg3[%swap3A_11, %swap3A_12], %concatenate3A {strides = array<i32>} : memref<2000x256xf32, #tpu.memory_space<vmem>>, vector<2000x256xf32>,
    return
  }
  func.func @transform_0(%arg0: i32) -> (i32, i32) {
    %c0_i32 = arith.constant 0 : i32
    %c0_i32_0 = arith.constant 0 : i32
    return %arg0, %c0_i32 : i32, i32
  }
  func.func @transform_1(%arg0: i32) -> (i32, i32) {
    %c0_i32 = arith.constant 0 : i32
    %c0_i32_0 = arith.constant 0 : i32
    %c0_i32_1 = arith.constant 0 : i32
    return %c0_i32, %c0_i32_0 : i32, i32
  }
  func.func @transform_2(%arg0: i32) -> (i32, i32) {
    %c0_i32 = arith.constant 0 : i32
    %c0_i32_0 = arith.constant 0 : i32
    return %arg0, %c0_i32 : i32, i32
  }
  func.func @transform_3(%arg0: i32) -> (i32, i32) {
    %c0_i32 = arith.constant 0 : i32
    %c0_i32_0 = arith.constant 0 : i32
    return %arg0, %c0_i32 : i32, i32
  }
}

module attributes {stable_mosaic.version = 14 : i64} {
  func.func @_combine_body(%arg0: i32, %arg1: memref<2000x128xf32, #tpu.memory_space<vmem>>, %arg2: memref<128x128xf32, #tpu.memory_space<vmem>>, %arg3: memref<1x128xf32, #tpu.memory_space<vmem>>, %arg4: memref<2x2000x128xf32, #tpu.memory_space<vmem>>, %arg5: memref<2x2000x2xf32, #tpu.memory_space<vmem>>, %arg6: memref<2000x128xf32, #tpu.memory_space<vmem>>) attributes {dimension_semantics = [#tpu.dimension_semantics<arbitrary>], iteration_bounds = array<i64: 5>, scalar_prefetch = 0 : i64, scratch_operands = 0 : i64, tpu.core_type = #tpu.core_type<tc>, window_params = [{transform_indices = @transform_0, window_bounds = array<i64: 2000, 128>}, {pipeline_mode = #tpu.pipeline_mode<synchronous>, transform_indices = @transform_1, window_bounds = array<i64: 128, 128>}, {pipeline_mode = #tpu.pipeline_mode<synchronous>, transform_indices = @transform_2, window_bounds = array<i64: 1, 128>}, {transform_indices = @transform_3, window_bounds = array<i64: 2, 2000, 128>}, {transform_indices = @transform_4, window_bounds = array<i64: 2, 2000, 2>}, {transform_indices = @transform_5, window_bounds = array<i64: 2000, 128>}]} {
    %get3A = arith.constant 0 : index
    %get3A_0 = arith.constant 0 : index
    %get3A_1 = vector.load %arg1[%get3A, %get3A_0] : memref<2000x128xf32, #tpu.memory_space<vmem>>, vector<2000x128xf32>
    %get3A_2 = arith.constant 0 : index
    %get3A_3 = arith.constant 0 : index
    %get3A_4 = vector.load %arg2[%get3A_2, %get3A_3] : memref<128x128xf32, #tpu.memory_space<vmem>>, vector<128x128xf32>
    %dot_general3A = arith.constant dense<0.000000e+00> : vector<2000x128xf32>
    %dot_general3A_5 = tpu.matmul %get3A_1, %get3A_4, %dot_general3A {dimension_numbers = #tpu.dot_dimension_numbers<[1], [0], [0], [1], [0, 0, 1, 1], [], []>, transpose_lhs_hint = false} : vector<2000x128xf32>, vector<128x128xf32>, vector<2000x128xf32> -> vector<2000x128xf32>
    %get3A_6 = arith.constant 0 : index
    %get3A_7 = arith.constant 0 : index
    %get3A_8 = vector.load %arg3[%get3A_6, %get3A_7] : memref<1x128xf32, #tpu.memory_space<vmem>>, vector<1x128xf32>
    %add3A = vector.broadcast %get3A_8 : vector<1x128xf32> to vector<2000x128xf32>
    %add3A_9 = arith.addf %dot_general3A_5, %add3A : vector<2000x128xf32>
    %get3A_10 = arith.constant 0 : index
    %get3A_11 = arith.constant 0 : index
    %get3A_12 = arith.constant 0 : index
    %get3A_13 = vector.load %arg4[%get3A_10, %get3A_11, %get3A_12] : memref<2x2000x128xf32, #tpu.memory_space<vmem>>, vector<1x2000x128xf32>
    %get3A_14 = vector.shape_cast %get3A_13 : vector<1x2000x128xf32> to vector<2000x128xf32>
    %get3A_15 = arith.constant 1 : index
    %get3A_16 = arith.constant 0 : index
    %get3A_17 = arith.constant 0 : index
    %get3A_18 = vector.load %arg4[%get3A_15, %get3A_16, %get3A_17] : memref<2x2000x128xf32, #tpu.memory_space<vmem>>, vector<1x2000x128xf32>
    %get3A_19 = vector.shape_cast %get3A_18 : vector<1x2000x128xf32> to vector<2000x128xf32>
    %add3A_20 = arith.addf %get3A_14, %get3A_19 : vector<2000x128xf32>
    %get3A_21 = arith.constant 0 : index
    %get3A_22 = arith.constant 0 : index
    %get3A_23 = arith.constant 0 : index
    %get3A_24 = vector.load %arg5[%get3A_21, %get3A_22, %get3A_23] : memref<2x2000x2xf32, #tpu.memory_space<vmem>>, vector<1x2000x2xf32>
    %get3A_25 = vector.shape_cast %get3A_24 : vector<1x2000x2xf32> to vector<2000x2xf32>
    %get3A_26 = arith.constant 1 : index
    %get3A_27 = arith.constant 0 : index
    %get3A_28 = arith.constant 0 : index
    %get3A_29 = vector.load %arg5[%get3A_26, %get3A_27, %get3A_28] : memref<2x2000x2xf32, #tpu.memory_space<vmem>>, vector<1x2000x2xf32>
    %get3A_30 = vector.shape_cast %get3A_29 : vector<1x2000x2xf32> to vector<2000x2xf32>
    %add3A_31 = arith.addf %get3A_25, %get3A_30 : vector<2000x2xf32>
    %slice3A = vector.extract_strided_slice %add3A_31 {offsets = [0, 0], sizes = [2000, 1], strides = [1, 1]} : vector<2000x2xf32> to vector<2000x1xf32>
    %slice3A_32 = vector.extract_strided_slice %add3A_31 {offsets = [0, 1], sizes = [2000, 1], strides = [1, 1]} : vector<2000x2xf32> to vector<2000x1xf32>
    %mul3A = vector.broadcast %slice3A : vector<2000x1xf32> to vector<2000x128xf32>
    %mul3A_33 = arith.mulf %mul3A, %get3A_1 : vector<2000x128xf32>
    %mul3A_34 = vector.broadcast %slice3A_32 : vector<2000x1xf32> to vector<2000x128xf32>
    %mul3A_35 = arith.mulf %mul3A_34, %add3A_9 : vector<2000x128xf32>
    %add3A_36 = arith.addf %mul3A_33, %mul3A_35 : vector<2000x128xf32>
    %sub3A = arith.subf %add3A_36, %add3A_20 : vector<2000x128xf32>
    %swap3A = arith.constant 0 : index
    %swap3A_37 = arith.constant 0 : index
    %swap3A_38 = vector.load %arg6[%swap3A, %swap3A_37] : memref<2000x128xf32, #tpu.memory_space<vmem>>, vector<2000x128xf32>
    tpu.vector_store %arg6[%swap3A, %swap3A_37], %sub3A {strides = array<i32>} : memref<2000x128xf32, #tpu.memory_space<vmem>>, vector<2000x128xf32>,
    return
  }
  func.func @transform_0(%arg0: i32) -> (i32, i32) {
    %c0_i32 = arith.constant 0 : i32
    %c0_i32_0 = arith.constant 0 : i32
    return %arg0, %c0_i32 : i32, i32
  }
  func.func @transform_1(%arg0: i32) -> (i32, i32) {
    %c0_i32 = arith.constant 0 : i32
    %c0_i32_0 = arith.constant 0 : i32
    %c0_i32_1 = arith.constant 0 : i32
    return %c0_i32, %c0_i32_0 : i32, i32
  }
  func.func @transform_2(%arg0: i32) -> (i32, i32) {
    %c0_i32 = arith.constant 0 : i32
    %c0_i32_0 = arith.constant 0 : i32
    %c0_i32_1 = arith.constant 0 : i32
    return %c0_i32, %c0_i32_0 : i32, i32
  }
  func.func @transform_3(%arg0: i32) -> (i32, i32, i32) {
    %c0_i32 = arith.constant 0 : i32
    %c0_i32_0 = arith.constant 0 : i32
    %c0_i32_1 = arith.constant 0 : i32
    return %c0_i32, %arg0, %c0_i32_0 : i32, i32, i32
  }
  func.func @transform_4(%arg0: i32) -> (i32, i32, i32) {
    %c0_i32 = arith.constant 0 : i32
    %c0_i32_0 = arith.constant 0 : i32
    %c0_i32_1 = arith.constant 0 : i32
    return %c0_i32, %arg0, %c0_i32_0 : i32, i32, i32
  }
  func.func @transform_5(%arg0: i32) -> (i32, i32) {
    %c0_i32 = arith.constant 0 : i32
    %c0_i32_0 = arith.constant 0 : i32
    return %arg0, %c0_i32 : i32, i32
  }
}

</mosaic_0001>

<sc_bundles>
// kernel: kernel.5.cloned.1.call-start
scs
__scs_entry_jumppad:
0x0: {  	(pc) =	sbr.rel $0x88, $3  }
0x1: {  	(tag) =	ssettag $0x0;
	lr =	simm.s32 $0x1  }
0x2: {  	[smem:$0x3F99] =	sst lr;
	_ =	strace $0xD0000000  }
0x3: {  	_ = 	snop  }
0x4: {  	_ = 	snop  }
0x5: {  	_ = 	snop  }
0x6: {  	_ = 	snop  }
0x7: {  	_ = 	snop  }
__scs_overlays_trampoline_lowered:
0x8: {  	[smem:$0x3FA8] =	sst s0  }
0x9: {  	[smem:$0x3FA9] =	sst s1  }
0xa: {  	[smem:$0x3FAA] =	sst s2  }
0xb: {  	[smem:$0x3FAB] =	sst s3  }
0xc: {  	[smem:$0x3FAC] =	sst s4  }
0xd: {  	[smem:$0x3FAD] =	sst s5  }
0xe: {  	[smem:$0x3FAE] =	sst s6  }
0xf: {  	[smem:$0x3FAF] =	sst s7  }
0x10: {  	[smem:$0x3FB0] =	sst s8  }
0x11: {  	[smem:$0x3FB1] =	sst s9;
	s0 =	simm.s32 @!p0 $0x0  }
0x12: {  	s1 =	sld [smem:$0x3F97];
	s0 =	simm.s32 @p0 $0x1  }
0x13: {  	[smem:$0x3FB2] =	sst s0;
	s0 =	simm.s32 @!p1 $0x0  }
0x14: {  	s2 =	sld [smem:$0x3F96];
	s0 =	simm.s32 @p1 $0x1  }
0x15: {  	[smem:$0x3FB3] =	sst s0;
	s0 =	simm.s32 @!p2 $0x0  }
0x16: {  	s3 =	sld [smem:$0x3FDB];
	s0 =	simm.s32 @p2 $0x1  }
0x17: {  	s4 =	simm.s32 $0x1BF5;
	[smem:$0x3FB5] =	sst s0  }
0x18: {  	s0 =	sld [smem:$0x3F98];
	_ =	swait.ge [sflag:s4], $0x0  }
0x19: {  	s7 =	sld [smem:$0x3F99]  }
0x1a: {  	s8 =	sadd.s32 $0xFFFFE003, lr  }
0x1b: {  	s9 =	sadd.s32 $0xFFFFFEF7, lr;
	s5 =	simm.s32 $0xFFFFFFFF;
	p2 =	slt.u32 s8, $0xFFFFF086  }
0x1c: {  	p1 =	slt.u32 s9, $0xF7A;
	s5 =	simm.s32 @!p2 $0x0  }
0x1d: {  	s5 =	simm.s32 @p1 $0x1;
	p0 =	seq.s32 s7, s2  }
0x1e: {  	s7 =	smul.u32 @!p0 $0xF7A, s2;
	p2 =	seq.s32 @!p0 s5, $0x0  }
0x1f: {  	s9 =	smul.u32 $0xF7A, s1;
	s8 =	simm.s32 @!p0 $0x1BF5;
	p2 =	por !p2, p0  }
0x20: {  	[sflag:s8] =	ssyncset.s32 @!p0 $0xFFFFF086;
	s6 =	sadd.s32 @!p0 s3, s7;
	s7 =	simm.s32 @!p0 $0x108  }
0x21: {  	s3 =	sadd.s32 s3, s9;
	s6 =	sadd.s32 @!p0 $0x88, s6;
	s7 =	simm.s32 @p2 $0x1082  }
0x22: {  	[simem:s7], [sflag:s8] =	dma.local @!p0 [hbm:s6], $0xF7A  }
0x23: {  	s9 =	sor.u32 $0xD0000000, s2;
	s6 =	simm.s32 $0x108;
	_ =	swait.ge @!p0 [sflag:s8], $0x0  }
0x24: {  	s3 =	sadd.s32 $0x88, s3;
	s6 =	simm.s32 @!p1 $0x1082;
	[sflag:s4] =	ssyncset.s32 $0xFFFFF086  }
0x25: {  	[simem:s6], [sflag:s4] =	dma.local [hbm:s3], $0xF7A  }
0x26: {  	[smem:$0x3F99] =	sst s1;
	(tag) =	ssettag s2;
	_ =	strace s9  }
0x27: {  	s1 =	sld [smem:$0x3FA9]  }
0x28: {  	s2 =	sld [smem:$0x3FAA]  }
0x29: {  	s4 =	sld [smem:$0x3FAC]  }
0x2a: {  	p0 =	seq.s32 s5, $0x0;
	s5 =	sld [smem:$0x3FAD]  }
0x2b: {  	s6 =	sld [smem:$0x3FAE]  }
0x2c: {  	s7 =	sld [smem:$0x3FAF]  }
0x2d: {  	s3 =	simm.s32 $0x108;
	s8 =	sld [smem:$0x3FB0]  }
0x2e: {  	s3 =	simm.s32 @!p0 $0x1082;
	s9 =	sld [smem:$0x3FB1]  }
0x2f: {  	lr =	sadd.s32 s0, s3;
	s0 =	sld [smem:$0x3FA8]  }
0x30: {  	s3 =	sld [smem:$0x3FAB]  }
0x31: {  	[smem:$0x3FB4] =	sst s10  }
0x32: {  	s10 =	sld [smem:$0x3FB2];
	_ =	sdelay $0x3  }
0x33: {  	p0 =	seq.s32 s10, $0x1;
	s10 =	sld [smem:$0x3FB4];
	_ =	sdelay $0x3  }
0x34: {  	[smem:$0x3FB4] =	sst s10  }
0x35: {  	s10 =	sld [smem:$0x3FB3];
	_ =	sdelay $0x3  }
0x36: {  	p1 =	seq.s32 s10, $0x1;
	s10 =	sld [smem:$0x3FB4];
	_ =	sdelay $0x3  }
0x37: {  	[smem:$0x3FB4] =	sst s10  }
0x38: {  	s10 =	sld [smem:$0x3FB5]  }
0x39: {  	_ = 	snop;
	(pc) =	sbr.ind lr, $3  }
0x3a: {  	_ = 	snop  }
0x3b: {  	_ = 	snop  }
0x3c: {  	p2 =	seq.s32 s10, $0x1;
	s10 =	sld [smem:$0x3FB4]  }
0x3d: {  	_ =	shalt  }
0x3e: {  	_ =	shalt  }
0x3f: {  	_ =	shalt  }
0x40: {  	_ =	shalt  }
0x41: {  	_ =	shalt  }
0x42: {  	_ =	shalt  }
0x43: {  	_ =	shalt  }
0x44: {  	_ =	shalt  }
0x45: {  	_ =	shalt  }
0x46: {  	_ =	shalt  }
0x47: {  	_ =	shalt  }
0x48: {  	_ =	shalt  }
0x49: {  	_ =	shalt  }
0x4a: {  	_ =	shalt  }
0x4b: {  	_ =	shalt  }
0x4c: {  	_ =	shalt  }
0x4d: {  	_ =	shalt  }
0x4e: {  	_ =	shalt  }
0x4f: {  	_ =	shalt  }
0x50: {  	_ =	shalt  }
0x51: {  	_ =	shalt  }
0x52: {  	_ =	shalt  }
0x53: {  	_ =	shalt  }
0x54: {  	_ =	shalt  }
0x55: {  	_ =	shalt  }
0x56: {  	_ =	shalt  }
0x57: {  	_ =	shalt  }
0x58: {  	_ =	shalt  }
0x59: {  	_ =	shalt  }
0x5a: {  	_ =	shalt  }
0x5b: {  	_ =	shalt  }
0x5c: {  	_ =	shalt  }
0x5d: {  	_ =	shalt  }
0x5e: {  	_ =	shalt  }
0x5f: {  	_ =	shalt  }
0x60: {  	_ =	shalt  }
0x61: {  	_ =	shalt  }
0x62: {  	_ =	shalt  }
0x63: {  	_ =	shalt  }
0x64: {  	_ =	shalt  }
0x65: {  	_ =	shalt  }
0x66: {  	_ =	shalt  }
0x67: {  	_ =	shalt  }
0x68: {  	_ =	shalt  }
0x69: {  	_ =	shalt  }
0x6a: {  	_ =	shalt  }
0x6b: {  	_ =	shalt  }
0x6c: {  	_ =	shalt  }
0x6d: {  	_ =	shalt  }
0x6e: {  	_ =	shalt  }
0x6f: {  	_ =	shalt  }
0x70: {  	_ =	shalt  }
0x71: {  	_ =	shalt  }
0x72: {  	_ =	shalt  }
0x73: {  	_ =	shalt  }
0x74: {  	_ =	shalt  }
0x75: {  	_ =	shalt  }
0x76: {  	_ =	shalt  }
0x77: {  	_ =	shalt  }
0x78: {  	_ =	shalt  }
0x79: {  	_ =	shalt  }
0x7a: {  	_ =	shalt  }
0x7b: {  	_ =	shalt  }
0x7c: {  	_ =	shalt  }
0x7d: {  	_ =	shalt  }
0x7e: {  	_ =	shalt  }
0x7f: {  	_ =	shalt  }
0x80: {  	_ =	shalt  }
0x81: {  	_ =	shalt  }
0x82: {  	_ =	shalt  }
0x83: {  	_ =	shalt  }
0x84: {  	_ =	shalt  }
0x85: {  	_ =	shalt  }
0x86: {  	_ =	shalt  }
0x87: {  	_ =	shalt  }
.Lfunc_end0:
.L_simem_size_0:
called_computation_lowered:
.L_overlay_start_0:
0x88: {  	s2 =	sld [smem:$0x3FD9]  }
0x89: {  	s3 =	sld [smem:$0x3FFE];
	_ =	sdelay $0x1  }
0x8a: {  	s1 =	srdreg.scid  }
0x8b: {  	s0 =	sand.u32 $0x1, s1  }
0x8c: {  	s17 =	sshll.u32 s0, $0xA;
	s2 =	sadd.s32 s3, s2  }
0x8d: {  	s2 =	sadd.s32 s2, s17  }
0x8e: {  	[smem:$0x3FC0] =	sst s2  }
0x8f: {  	_ = 	snop  }
0x90: {  	s2 =	sld [smem:$0x3FD0];
	(tm) =	ssettm $0x1  }
0x91: {  	s18 =	sld [smem:$0x3FFB];
	_ =	sdelay $0x3  }
0x92: {  	_ =	strace s18  }
0x93: {  	s3 =	sld [smem:$0x3FFC];
	_ =	sdelay $0x3  }
0x94: {  	_ =	strace s3  }
0x95: {  	s3 =	sld [smem:$0x3FFD];
	_ =	sdelay $0x3  }
0x96: {  	_ =	strace s3  }
0x97: {  	_ =	strace $0x8FFFFFFF  }
0x98: {  	s19 =	sld [smem:$0x3FDB];
	_ =	sdelay $0x1  }
0x99: {  	s4 =	simm.s32 $_scs_section_size  }
0x9a: {  	s5 =	simm.s32 $_size__tile_overlayer_lowered;
	s6 =	simm.s32 $_tile_overlayer_lowered  }
0x9b: {  	s22 =	simm.s32 $0x1BFF;
	s21 =	sshll.u32 s6, $0x1;
	s3 =	sadd.s32 s4, s19  }
0x9c: {  	s7 =	simm.s32 $0x0;
	s20 =	sshll.u32 s5, $0x1;
	s5 =	sadd.s32 s21, s3  }
0x9d: {  	[timem:s7], [sflag:s22] =	dma.local [hbm:s5], s20  }
0x9e: {  	_ =	swait.ge [sflag:s22], s20  }
0x9f: {  	s4 =	ssub.s32 $0x0, s20;
	[sflag:s22] =	ssyncset.done $0x0  }
0xa0: {  	[sflag:s22] =	ssyncadd.s32 s4;
	_ =	sdelay $0x1  }
0xa1: {  	s23 =	simm.s32 $0x1B8B  }
0xa2: {  	_ =	swait.ge [sflag:s23], $0x1  }
0xa3: {  	[sflag:s23] =	ssyncset.done $0x0  }
0xa4: {  	s25 =	simm.s32 $0x1B8E;
	s24 =	sld [smem:$0x3FFE];
	[sflag:s23] =	ssyncadd.s32 $0xFFFFFFFF  }
0xa5: {  	s26 =	simm.s32 $execute0_lowered;
	[smem:$0x3FD2] =	sst s25  }
0xa6: {  	s5 =	sshll.u32 s26, $0x1;
	_ =	strace $0x80000046;
	[dreg:$0x1] =	wrdreg $0xFFFFFFFF  }
0xa7: {  	s28 =	simm.s32 $_size_execute0_lowered;
	s3 =	sadd.s32 s3, s5;
	[dreg:$0x0] =	wrdreg $0x0  }
0xa8: {  	s5 =	sshll.u32 s28, $0x1;
	[dreg:$0x2] =	wrdreg s3  }
0xa9: {  	[dreg:$0x3] =	wrdreg s5  }
0xaa: {  	[dreg:$0x4] =	wrdreg $0xC0  }
0xab: {  	_ =	task [dreg:s7], $0x5FFFF  }
0xac: {  	[dreg:$0x1] =	wrdreg $0xFFFFFFFF  }
0xad: {  	[dreg:$0x0] =	wrdreg $0x60  }
0xae: {  	[dreg:$0x2] =	wrdreg s24  }
0xaf: {  	[dreg:$0x3] =	wrdreg s2  }
0xb0: {  	[dreg:$0x4] =	wrdreg $0xA4800  }
0xb1: {  	[dreg:$0x5] =	wrdreg $0x9  }
0xb2: {  	_ =	task.clear_ibuf [dreg:s7], $0x6FFFF;
	_ =	strace $0x90000046  }
0xb3: {  	s29 =	simm.s32 $0x9;
	_ =	strace $0x80000048  }
0xb4: {  	_ =	swait.ge [sflag:s29], $0x1  }
0xb5: {  	[sflag:s29] =	ssyncadd.s32 $0xFFFFFFFF  }
0xb6: {  	_ =	strace $0x90000048  }
0xb7: {  	_ =	sfence  }
0xb8: {  	s30 =	sld [smem:$0x0];
	_ =	sdelay $0x2  }
0xb9: {  	s31 =	sshll.u32 s1, $0xD;
	s1 =	sshrl.u32 s1, $0x2  }
0xba: {  	s3 =	sand.u32 $0x4000, s31;
	s1 =	sadd.s32 s1, s30  }
0xbb: {  	s0 =	sor.u32 s3, s0;
	s1 =	sshll.u32 s1, $0x11  }
0xbc: {  	s0 =	sor.u32 s1, s0  }
0xbd: {  	s0 =	sadd.s32 $0x8F2B, s0  }
0xbe: {  	[sflag:s0] =	ssyncadd.remote.s32 $0x1  }
0xbf: {  	_ =	sfence.sel $0xFFFF  }
0xc0: {  	[dreg:$0x0] =	wrdreg $0xFFFFFFFF;
	(pc) =	sbr.abs _section_cstart, $3  }
0xc1: {  	[dreg:$0x1] =	wrdreg $0xFFFFFFFF  }
0xc2: {  	_ =	task.clear_ibuf [dreg:s7], $0x2FFFF;
	_ =	strace $0x9FFFFFFF  }
0xc3: {  	(tm) =	ssettm $0x7FFFFFFF  }
tec
execute0_lowered:
.L_overlay_start_1:
0x0: {  	(tag) =	ssettag $0x1  }
0x1: {  	s0 =	rddreg [dreg:$0x0]  }
0x2: {  	s1 =	rddreg [dreg:$0x1]  }
0x3: {  	s2 =	rddreg [dreg:$0x2];
	s3 =	simm.s32 $0x0  }
0x4: {  	s4 =	srdreg.scid;
	s15 =	stileid.u32;
	s30 =	simm.s32 $0x28  }
0x5: {  	s17 =	simm.s32 $0x1;
	s28 =	simm.s32 $0x0;
	[smem:$0x7FF] =	sst s3  }
0x6: {  	s4 =	sand.u32 $0x1, s4;
	s5 =	sadd.s32 $0x1800, s0;
	s6 =	sadd.s32 $0xB600, s0  }
0x7: {  	s7 =	sadd.s32 $0x15400, s0;
	s10 =	smul.u32 $0x15000, s15;
	s8 =	sadd.s32 $0x28E00, s0  }
0x8: {  	s11 =	sadd.s32 $0x77000, s0;
	s18 =	sshll.u32 s15, $0x1;
	s20 =	smul.u32 $0x54000, s15  }
0x9: {  	s13 =	sadd.s32 $0x77200, s0;
	s31 =	sshll.u32 s15, $0x6;
	_ =	strace $0x80000047  }
0xa: {  	s9 =	smul.u32 $0x150000, s4;
	[dreg:$0x4] =	wrdreg s11;
	s19 =	sor.u32 s4, s18  }
0xb: {  	v0 =	vimm.s32 $0xFEDCBA98;
	s4 =	ssub.s32 $0x2, s4;
	[dreg:$0x5] =	wrdreg s13;
	s18 =	simm.s32 $0x280  }
0xc: {  	v1 =	vimm.s32 $0x76543210;
	v3 =	vimm.s32 $0xBA98FEDC;
	v2 =	vunpack.c.l.s4.s8 v0;
	s12 =	smul.u32 $0x2710, s19;
	s21 =	sshrl.u32 s4, $0x1;
	s11 =	sshrl.u32 s20, $0x2  }
0xd: {  	v5 =	vimm.s32 $0x32107654;
	v8 =	vimm.s32 $0xEFCDAB89;
	v1 =	vunpack.c.l.s4.s8 v1;
	s20 =	simm.s32 $0x3;
	s9 =	sadd.s32 s10, s9;
	s10 =	smul.u32 $0x9C4, s19  }
0xe: {  	v9 =	vimm.s32 $0x67452301;
	v8 =	vunpack.c.l.s4.s8 v8;
	v2 =	vunpack.c.0.s8.s32 v2;
	s4 =	ssub.s32 s4, s21;
	s23 =	sadd.s32 s11, s2;
	s19 =	simm.s32 $0x5  }
0xf: {  	v3 =	vunpack.c.l.s4.s8 v3;
	v5 =	vunpack.c.l.s4.s8 v5;
	v4 =	vunpack.c.0.s8.s32 v1;
	s21 =	simm.s32 $0x50;
	s9 =	sshrl.u32 s9, $0x3;
	s26 =	sadd.s32 $0x50, s12  }
0x10: {  	v9 =	vunpack.c.l.s4.s8 v9;
	v8 =	vunpack.c.0.s8.s32 v8;
	s22 =	sshrl.u32 s12, $0x3;
	s29 =	smax.u32 s4, $0x1;
	v2 =	vand.u32 $0xF, v2;
	[dreg:$0x9] =	wrdreg s26  }
0x11: {  	s14 =	sadd.s32 $0x28, s12;
	s11 =	sshrl.u32 s23, $0x3;
	[dreg:$0xb] =	wrdreg s29;
	v2 =	vcombine.low v2, v4;
	v4 =	vunpack.c.0.s8.s32 v3;
	v3 =	vimm.s32 $0xDCFE98BA  }
0x12: {  	v9 =	vunpack.c.0.s8.s32 v9;
	s23 =	simm.s32 $0x200;
	s24 =	sadd.s32 s5, s22;
	[dreg:$0xd] =	wrdreg s11;
	v6 =	vunpack.c.l.s4.s8 v3;
	v3 =	vimm.s32 $0x54761032  }
0x13: {  	vm0 =	vmmov $0xffff;
	v0 =	vimm.f32 $0.0e+00;
	s4 =	simm.s32 $0x180;
	s25 =	sadd.s32 s6, s22;
	[dreg:$0x6] =	wrdreg s24;
	v7 =	vunpack.c.l.s4.s8 v3  }
0x14: {  	v1 =	vlaneseq.u32;
	v5 =	vunpack.c.0.s8.s32 v5;
	v8 =	vcombine.low v9, v8;
	s0 =	sadd.s32 s9, s0;
	s10 =	sadd.s32 s7, s10;
	[dreg:$0x7] =	wrdreg s25  }
0x15: {  	v9 =	vor.u32 $0x10, v1;
	s26 =	simm.s32 $0x4;
	[dreg:$0x8] =	wrdreg s10;
	s0 =	sadd.s32 $0x79C00, s0;
	v6 =	vunpack.c.0.s8.s32 v6;
	v7 =	vunpack.c.0.s8.s32 v7  }
0x16: {  	s9 =	simm.s32 $0x0;
	s10 =	sor.u32 $0x1C05, s31;
	[dreg:$0xa] =	wrdreg s0;
	v3 =	vand.u32 $0x7, v1;
	v4 =	vcombine.low v5, v4;
	v5 =	vshrl.u32 v1, $0x3  }
0x17: {  	s24 =	simm.s32 $0x7B00;
	s25 =	simm.s32 $0x2;
	[dreg:$0xc] =	wrdreg s10;
	v5 =	vmul.u32 $0x8, v5;
	v6 =	vcombine.low v7, v6;
	v7 =	vor.u32 $0x8, v1  }
.LBB2_1:
0x18: {  	[dreg:$0xe] =	wrdreg s9  }
0x19: {  	s0 =	rddreg [dreg:$0x4];
	s29 =	simm.s32 $0xA300  }
0x1a: {  	[tilespmem:s29], [sflag:$0x5] =	stream.linear.gather [hbm4b:s0+s3], $0x180, $0x38;
	[tilespmem:$0x1F480] =	vst v63  }
0x1b: {  	_ =	swait.ge [sflag:s19], $0x180  }
0x1c: {  	[sflag:s19] =	ssyncset.done $0x0  }
0x1d: {  	s31 =	rddreg [dreg:$0x5];
	[sflag:s19] =	ssyncadd.s32 $0xFFFFFE80  }
0x1e: {  	[spmem:s11], [sflag:s10] =	dma.local [hbm:s31], $0x2A00  }
0x1f: {  	_ =	swait.ge [sflag:s19], $0x2A00  }
0x20: {  	[sflag:s19] =	ssyncset.done $0x0  }
0x21: {  	s9 =	simm.s32 $0x200;
	s0 =	simm.s32 $0x0;
	[sflag:s19] =	ssyncadd.s32 $0xFFFFD600  }
.LBB2_2:
0x22: {  	p0 =	sne.s32 s9, $0x9E00;
	[tilespmem:s0+$0x7B70] =	vst v0  }
0x23: {  	[tilespmem:s0+$0x7B00] =	vst v0  }
0x24: {  	[tilespmem:s0+$0x7B10] =	vst v0  }
.Ltmp0:
0x25: {  	[tilespmem:s0+$0x7B20] =	vst v0;
	(pc) =	sbr.rel @p0 .LBB2_2-.Ltmp0, $4  }
0x26: {  	[tilespmem:s0+$0x7B30] =	vst v0  }
0x27: {  	[tilespmem:s0+$0x7B40] =	vst v0  }
0x28: {  	[tilespmem:s0+$0x7B50] =	vst v0  }
0x29: {  	[tilespmem:s0+$0x7B60] =	vst v0;
	s0 =	sshra.s32 s9, $0x2;
	s9 =	sadd.s32 $0x200, s9  }
0x2a: {  	[tilespmem:s0+$0x7B70] =	vst v0  }
0x2b: {  	[tilespmem:s0+$0x7B00] =	vst v0  }
0x2c: {  	[tilespmem:s0+$0x7B10] =	vst v0  }
0x2d: {  	[tilespmem:s0+$0x7B20] =	vst v0  }
0x2e: {  	[tilespmem:s0+$0x7B30] =	vst v0  }
0x2f: {  	[tilespmem:s0+$0x7B40] =	vst v0  }
0x30: {  	[tilespmem:s0+$0x7B50] =	vst v0  }
0x31: {  	[tilespmem:s0+$0x7B60] =	vst v0  }
0x32: {  	[bflag:$0x0] =	sbarrier.arrive $0xFFFF  }
0x33: {  	v10 =	vld [tilespmem:$0xA300]  }
0x34: {  	v11 =	vld [tilespmem:$0xA310]  }
0x35: {  	v12 =	vld [tilespmem:$0xA320]  }
0x36: {  	v13 =	vld [tilespmem:$0xA330]  }
0x37: {  	v14 =	vld [tilespmem:$0xA340]  }
0x38: {  	v15 =	vld [tilespmem:$0xA350]  }
0x39: {  	v16 =	vld [tilespmem:$0xA360]  }
0x3a: {  	v17 =	vld [tilespmem:$0xA370]  }
0x3b: {  	v18 =	vld [tilespmem:$0xA380]  }
0x3c: {  	v19 =	vld [tilespmem:$0xA390]  }
0x3d: {  	v20 =	vld [tilespmem:$0xA3A0]  }
0x3e: {  	v21 =	vld [tilespmem:$0xA3B0]  }
0x3f: {  	v22 =	vld [tilespmem:$0xA3C0]  }
0x40: {  	v23 =	vld [tilespmem:$0xA3D0]  }
0x41: {  	v24 =	vld [tilespmem:$0xA3E0]  }
0x42: {  	v25 =	vld [tilespmem:$0xA3F0];
	s9 =	rddreg [dreg:$0x6]  }
0x43: {  	v26 =	vld [tilespmem:$0xA400];
	[tilespmem:s28], [sflag:$0x5] =	stream.linear.gather [hbm4b:s9+s28], $0x28, $0x38  }
0x44: {  	_ =	swait.ge [sflag:s19], $0x28  }
0x45: {  	[sflag:s19] =	ssyncset.done $0x0  }
0x46: {  	s9 =	simm.s32 $0x100;
	s10 =	rddreg [dreg:$0x7];
	[sflag:s19] =	ssyncadd.s32 $0xFFFFFFD8  }
0x47: {  	[tilespmem:s9], [sflag:$0x5] =	stream.linear.gather [hbm4b:s10+s28], $0x28, $0x38;
	[tilespmem:$0x1F480] =	vst v63  }
0x48: {  	_ =	swait.ge [sflag:s19], $0x28  }
0x49: {  	[sflag:s19] =	ssyncset.done $0x0  }
0x4a: {  	s11 =	rddreg [dreg:$0x8];
	[sflag:s19] =	ssyncadd.s32 $0xFFFFFFD8  }
0x4b: {  	[tilespmem:s23], [sflag:$0x5] =	stream.linear.gather [hbm4b:s11+s28], $0x50, $0x38;
	[tilespmem:$0x1F480] =	vst v63  }
0x4c: {  	_ =	swait.ge [sflag:s19], $0x50  }
0x4d: {  	[sflag:s19] =	ssyncset.done $0x0  }
0x4e: {  	[sflag:s19] =	ssyncadd.s32 $0xFFFFFFB0  }
0x4f: {  	v27 =	vld [tilespmem:$0x0];
	_ =	sdelay $0x4  }
0x50: {  	v28 =	vshll.u32 v27, $0x1  }
0x51: {  	v27 =	vand.u32 $0x7, v27;
	v28 =	vand.u32 $0xFFFFFFF0, v28  }
0x52: {  	v27 =	vor.u32 v27, v28  }
0x53: {  	v28 =	vperm.xlane v27, v3;
	_ =	sdelay $0x1  }
0x54: {  	v27 =	vperm.xlane v27, v7;
	v28 =	vadd.s32 v5, v28;
	_ =	sdelay $0x1  }
0x55: {  	v27 =	vadd.s32 v5, v27;
	_ =	sdelay $0x1  }
0x56: {  	s12 =	simm.s32 $0x300  }
0x57: {  	[tilespmem:s12], [sflag:$0x1] =	stream.indirect_vreg.gather [hbm4b:s8+s28], $0x80, v28, vm0, $0xb8;
	[tilespmem:$0x1F480] =	vst v63  }
0x58: {  	s13 =	simm.s32 $0xB00  }
0x59: {  	[tilespmem:s13], [sflag:$0x1] =	stream.indirect_vreg.gather [hbm4b:s8+s28], $0x80, v27, vm0, $0xb8;
	[tilespmem:$0x1F480] =	vst v63  }
0x5a: {  	v27 =	vld [tilespmem:$0x10];
	_ =	sdelay $0x4  }
0x5b: {  	v62 =	vshll.u32 v27, $0x1  }
0x5c: {  	v27 =	vand.u32 $0x7, v27;
	v28 =	vand.u32 $0xFFFFFFF0, v62  }
0x5d: {  	v27 =	vor.u32 v27, v28  }
0x5e: {  	v28 =	vperm.xlane v27, v3;
	_ =	sdelay $0x1  }
0x5f: {  	v27 =	vperm.xlane v27, v7;
	v28 =	vadd.s32 v5, v28;
	_ =	sdelay $0x1  }
0x60: {  	v27 =	vadd.s32 v5, v27;
	_ =	sdelay $0x1  }
0x61: {  	s15 =	simm.s32 $0x1300  }
0x62: {  	[tilespmem:s15], [sflag:$0x1] =	stream.indirect_vreg.gather [hbm4b:s8+s28], $0x80, v28, vm0, $0xb8;
	[tilespmem:$0x1F480] =	vst v63  }
0x63: {  	s16 =	simm.s32 $0x1B00  }
0x64: {  	[tilespmem:s16], [sflag:$0x1] =	stream.indirect_vreg.gather [hbm4b:s8+s28], $0x80, v27, vm0, $0xb8;
	[tilespmem:$0x1F480] =	vst v63  }
0x65: {  	v27 =	vld.msk [tilespmem:$0x20], $0xff;
	_ =	sdelay $0x4  }
0x66: {  	v63 =	vshll.u32 v27, $0x1  }
0x67: {  	v27 =	vand.u32 $0x7, v27;
	v28 =	vand.u32 $0xFFFFFFF0, v63  }
0x68: {  	v27 =	vor.u32 v27, v28  }
0x69: {  	v27 =	vperm.xlane v27, v3;
	_ =	sdelay $0x1  }
0x6a: {  	v27 =	vadd.s32 v5, v27;
	_ =	sdelay $0x3  }
0x6b: {  	s22 =	simm.s32 $0x2300  }
0x6c: {  	[tilespmem:s22], [sflag:$0x1] =	stream.indirect_vreg.gather [hbm4b:s8+s28], $0x80, v27, vm0, $0xb8;
	[tilespmem:$0x1F480] =	vst v63  }
0x6d: {  	s31 =	simm.s32 $0x5300;
	s29 =	simm.s32 $0x0  }
0x6e: {  	[tilespmem:s31], [sflag:$0x3] =	stream.indirect.gather [hbm4b:s1+s30], $0x80, s9, s30, $0xb8;
	[tilespmem:$0x1F480] =	vst v63  }
.LBB2_4:
0x6f: {  	s31 =	smul.u32 $0x50, s29;
	_ =	sdelay $0x1  }
0x70: {  	s0 =	sadd.s32 s31, s14  }
0x71: {  	s9 =	sshrl.u32 s0, $0x3  }
0x72: {  	s11 =	simm.s32 $0x80;
	s10 =	sadd.s32 s5, s9  }
0x73: {  	[tilespmem:s11], [sflag:$0x5] =	stream.linear.gather [hbm4b:s10+s28], $0x28, $0x38;
	[tilespmem:$0x1F480] =	vst v63  }
0x74: {  	_ =	swait.ge [sflag:s19], $0x28  }
0x75: {  	[sflag:s19] =	ssyncset.done $0x0  }
0x76: {  	s9 =	sadd.s32 s6, s9;
	[sflag:s19] =	ssyncadd.s32 $0xFFFFFFD8  }
0x77: {  	[tilespmem:s4], [sflag:$0x5] =	stream.linear.gather [hbm4b:s9+s28], $0x28, $0x38;
	[tilespmem:$0x1F480] =	vst v63  }
0x78: {  	_ =	swait.ge [sflag:s19], $0x28  }
0x79: {  	s0 =	sshrl.u32 s0, $0x2;
	[sflag:s19] =	ssyncset.done $0x0  }
0x7a: {  	s0 =	sadd.s32 s7, s0;
	[sflag:s19] =	ssyncadd.s32 $0xFFFFFFD8  }
0x7b: {  	[tilespmem:s18], [sflag:$0x5] =	stream.linear.gather [hbm4b:s0+s28], $0x50, $0x38;
	[tilespmem:$0x1F480] =	vst v63  }
0x7c: {  	_ =	swait.ge [sflag:s19], $0x50  }
0x7d: {  	[sflag:s19] =	ssyncset.done $0x0  }
0x7e: {  	[sflag:s19] =	ssyncadd.s32 $0xFFFFFFB0  }
0x7f: {  	v27 =	vld [tilespmem:$0x80];
	_ =	sdelay $0x4  }
0x80: {  	v28 =	vshll.u32 v27, $0x1  }
0x81: {  	v27 =	vand.u32 $0x7, v27;
	v28 =	vand.u32 $0xFFFFFFF0, v28  }
0x82: {  	v27 =	vor.u32 v27, v28  }
0x83: {  	v28 =	vperm.xlane v27, v3;
	_ =	sdelay $0x1  }
0x84: {  	v27 =	vperm.xlane v27, v7;
	v28 =	vadd.s32 v5, v28;
	_ =	sdelay $0x1  }
0x85: {  	v27 =	vadd.s32 v5, v27;
	_ =	sdelay $0x1  }
0x86: {  	s15 =	simm.s32 $0x2B00  }
0x87: {  	[tilespmem:s15], [sflag:$0x2] =	stream.indirect_vreg.gather [hbm4b:s8+s28], $0x80, v28, vm0, $0xb8;
	[tilespmem:$0x1F480] =	vst v63  }
0x88: {  	s16 =	simm.s32 $0x3300  }
0x89: {  	[tilespmem:s16], [sflag:$0x2] =	stream.indirect_vreg.gather [hbm4b:s8+s28], $0x80, v27, vm0, $0xb8;
	[tilespmem:$0x1F480] =	vst v63  }
0x8a: {  	v27 =	vld [tilespmem:$0x90];
	_ =	sdelay $0x4  }
0x8b: {  	v28 =	vshll.u32 v27, $0x1  }
0x8c: {  	v27 =	vand.u32 $0x7, v27;
	v28 =	vand.u32 $0xFFFFFFF0, v28  }
0x8d: {  	v27 =	vor.u32 v27, v28  }
0x8e: {  	v28 =	vperm.xlane v27, v3;
	_ =	sdelay $0x1  }
0x8f: {  	v27 =	vperm.xlane v27, v7;
	v28 =	vadd.s32 v5, v28;
	_ =	sdelay $0x1  }
0x90: {  	v27 =	vadd.s32 v5, v27;
	_ =	sdelay $0x1  }
0x91: {  	s22 =	simm.s32 $0x3B00  }
0x92: {  	[tilespmem:s22], [sflag:$0x2] =	stream.indirect_vreg.gather [hbm4b:s8+s28], $0x80, v28, vm0, $0xb8;
	[tilespmem:$0x1F480] =	vst v63  }
0x93: {  	s9 =	simm.s32 $0x4300  }
0x94: {  	[tilespmem:s9], [sflag:$0x2] =	stream.indirect_vreg.gather [hbm4b:s8+s28], $0x80, v27, vm0, $0xb8;
	[tilespmem:$0x1F480] =	vst v63  }
0x95: {  	v27 =	vld.msk [tilespmem:$0xA0], $0xff;
	_ =	sdelay $0x4  }
0x96: {  	v28 =	vshll.u32 v27, $0x1  }
0x97: {  	v27 =	vand.u32 $0x7, v27;
	v28 =	vand.u32 $0xFFFFFFF0, v28  }
0x98: {  	v27 =	vor.u32 v27, v28  }
0x99: {  	v27 =	vperm.xlane v27, v3;
	_ =	sdelay $0x1  }
0x9a: {  	v27 =	vadd.s32 v5, v27;
	_ =	sdelay $0x3  }
0x9b: {  	s10 =	simm.s32 $0x4B00  }
0x9c: {  	[tilespmem:s10], [sflag:$0x2] =	stream.indirect_vreg.gather [hbm4b:s8+s28], $0x80, v27, vm0, $0xb8;
	[tilespmem:$0x1F480] =	vst v63  }
0x9d: {  	s11 =	simm.s32 $0x6700  }
0x9e: {  	[tilespmem:s11], [sflag:$0x4] =	stream.indirect.gather [hbm4b:s1+s30], $0x80, s4, s30, $0xb8;
	[tilespmem:$0x1F480] =	vst v63  }
0x9f: {  	_ =	swait.ge [sflag:s17], $0x2800  }
0xa0: {  	[sflag:s17] =	ssyncset.done $0x0  }
0xa1: {  	[sflag:s17] =	ssyncadd.s32 $0xFFFFD800  }
0xa2: {  	_ =	swait.ge [sflag:s20], $0x1400  }
0xa3: {  	s12 =	simm.s32 $0x5340;
	[sflag:s20] =	ssyncset.done $0x0  }
0xa4: {  	s13 =	sand.u32 $0x3800, s28;
	s15 =	sand.u32 $0x380, s28;
	[sflag:s20] =	ssyncadd.s32 $0xFFFFEC00  }
0xa5: {  	s0 =	sor.u32 s15, s13;
	v27 =	vld [tilespmem:s12+$0xFFFFFFC0]  }
0xa6: {  	v28 =	vld [tilespmem:s0+$0x300]  }
0xa7: {  	v29 =	vld [tilespmem:s12+$0xFFFFFFD0]  }
0xa8: {  	v30 =	vld [tilespmem:s0+$0x310]  }
0xa9: {  	v31 =	vld [tilespmem:s12+$0xFFFFFFE0]  }
0xaa: {  	v32 =	vld [tilespmem:s0+$0x320]  }
0xab: {  	v33 =	vld [tilespmem:s0+$0x330];
	v27 =	vsub.f32 v27, v28  }
0xac: {  	v28 =	vld [tilespmem:s12+$0xFFFFFFF0]  }
0xad: {  	v34 =	vld [tilespmem:s0+$0x340];
	v29 =	vsub.f32 v29, v30;
	v27 =	vadd.f32 v27, v10  }
0xae: {  	v30 =	vld [tilespmem:s12+$0x0]  }
0xaf: {  	v60 =	vld [tilespmem:s12+$0x10];
	v31 =	vsub.f32 v31, v32;
	v29 =	vadd.f32 v29, v11;
	v27 =	vmax.f32 v27, $0.0e+00  }
0xb0: {  	v35 =	vld [tilespmem:s0+$0x350];
	v27 =	vmul.f32 v27, v18  }
0xb1: {  	v61 =	vld [tilespmem:s12+$0x20];
	v31 =	vadd.f32 v31, v12;
	v29 =	vmax.f32 v29, $0.0e+00;
	v28 =	vsub.f32 v28, v33  }
0xb2: {  	v36 =	vld [tilespmem:s0+$0x360];
	v29 =	vmul.f32 v29, v19;
	v27 =	vadd.f32 $0.0e+00, v27  }
0xb3: {  	v62 =	vld [tilespmem:s12+$0x30];
	v31 =	vmax.f32 v31, $0.0e+00;
	v30 =	vsub.f32 v30, v34;
	v28 =	vadd.f32 v28, v13  }
0xb4: {  	v27 =	vadd.f32 v29, v27;
	v29 =	vmul.f32 v31, v20;
	v31 =	vld [tilespmem:s0+$0x370]  }
0xb5: {  	v32 =	vsub.f32 v60, v35;
	v30 =	vadd.f32 v30, v14;
	v28 =	vmax.f32 v28, $0.0e+00  }
0xb6: {  	v28 =	vmul.f32 v28, v21;
	v27 =	vadd.f32 v29, v27  }
0xb7: {  	v63 =	vsub.f32 v61, v36;
	v29 =	vmax.f32 v30, $0.0e+00;
	v30 =	vadd.f32 v32, v15  }
0xb8: {  	v27 =	vadd.f32 v28, v27;
	v28 =	vmul.f32 v29, v22  }
0xb9: {  	v29 =	vmax.f32 v30, $0.0e+00;
	v30 =	vadd.f32 v63, v16;
	v31 =	vsub.f32 v62, v31  }
0xba: {  	v27 =	vadd.f32 v28, v27;
	v28 =	vmul.f32 v29, v23  }
0xbb: {  	v29 =	vmax.f32 v30, $0.0e+00;
	v30 =	vadd.f32 v31, v17  }
0xbc: {  	v27 =	vadd.f32 v28, v27;
	v28 =	vmul.f32 v29, v24  }
0xbd: {  	v29 =	vmax.f32 v30, $0.0e+00  }
0xbe: {  	v27 =	vadd.f32 v28, v27;
	v28 =	vmul.f32 v29, v25;
	_ =	sdelay $0x1  }
0xbf: {  	v27 =	vadd.f32 v28, v27;
	_ =	sdelay $0x1  }
0xc0: {  	v28 =	vperm.xlane v27, v2;
	_ =	sdelay $0x1  }
0xc1: {  	v27 =	vadd.f32 v27, v28;
	_ =	sdelay $0x1  }
0xc2: {  	v28 =	vperm.xlane v27, v4;
	_ =	sdelay $0x1  }
0xc3: {  	v27 =	vadd.f32 v27, v28;
	_ =	sdelay $0x1  }
0xc4: {  	v28 =	vperm.xlane v27, v6;
	_ =	sdelay $0x1  }
0xc5: {  	v27 =	vadd.f32 v27, v28;
	_ =	sdelay $0x1  }
0xc6: {  	v28 =	vperm.xlane v27, v8;
	_ =	sdelay $0x1  }
0xc7: {  	v27 =	vadd.f32 v27, v28;
	_ =	sdelay $0x1  }
0xc8: {  	v27 =	vadd.f32 v27, v26;
	_ =	sdelay $0x1  }
0xc9: {  	v27 =	vsub.f32 $0.0e+00, v27;
	_ =	sdelay $0x1  }
0xca: {  	v27 =	vmul.f32 $1.442695020e+00, v27;
	_ =	sdelay $0x1  }
0xcb: {  	(erf) = vpow2.f32 v27;
	_ =	sdelay $0x8  }
0xcc: {  	v27 =	vpop (erf)  }
0xcd: {  	v27 =	vadd.f32 $1.000000000e+00, v27;
	_ =	sdelay $0x1  }
0xce: {  	(erf) = vrcp.f32 v27;
	_ =	sdelay $0x4  }
0xcf: {  	v27 =	vld [tilespmem:s0+$0x700];
	_ =	sdelay $0x3  }
0xd0: {  	v28 =	vpop (erf)  }
0xd1: {  	v27 =	vmul.f32 v28, v27  }
0xd2: {  	s15 =	simm.s32 $0x7B00  }
0xd3: {  	[tilespmem:s15+$0x0] =	vst v27  }
0xd4: {  	v27 =	vld [tilespmem:s0+$0x710];
	_ =	sdelay $0x4  }
0xd5: {  	v27 =	vmul.f32 v28, v27;
	_ =	sdelay $0x1  }
0xd6: {  	[tilespmem:s15+$0x10] =	vst v27  }
0xd7: {  	v27 =	vld [tilespmem:s0+$0x720];
	_ =	sdelay $0x4  }
0xd8: {  	v27 =	vmul.f32 v28, v27;
	_ =	sdelay $0x1  }
0xd9: {  	[tilespmem:s15+$0x20] =	vst v27  }
0xda: {  	v27 =	vld [tilespmem:s0+$0x730];
	_ =	sdelay $0x4  }
0xdb: {  	v27 =	vmul.f32 v28, v27;
	_ =	sdelay $0x1  }
0xdc: {  	[tilespmem:s15+$0x30] =	vst v27  }
0xdd: {  	v27 =	vld [tilespmem:s0+$0x740];
	_ =	sdelay $0x4  }
0xde: {  	v27 =	vmul.f32 v28, v27;
	_ =	sdelay $0x1  }
0xdf: {  	[tilespmem:s15+$0x40] =	vst v27  }
0xe0: {  	v27 =	vld [tilespmem:s0+$0x750];
	_ =	sdelay $0x4  }
0xe1: {  	v27 =	vmul.f32 v27, v28;
	_ =	sdelay $0x1  }
0xe2: {  	[tilespmem:s15+$0x50] =	vst v27  }
0xe3: {  	v27 =	vld [tilespmem:s0+$0x760];
	_ =	sdelay $0x4  }
0xe4: {  	v27 =	vmul.f32 v27, v28;
	_ =	sdelay $0x1  }
0xe5: {  	[tilespmem:s15+$0x60] =	vst v27  }
0xe6: {  	v27 =	vld [tilespmem:s0+$0x770];
	_ =	sdelay $0x4  }
0xe7: {  	s16 =	simm.s32 $0x0;
	v27 =	vmul.f32 v27, v28  }
0xe8: {  	s0 =	sand.u32 $0x30, s16  }
0xe9: {  	s0 =	smin.u32 s0, $0x18;
	[tilespmem:s15+$0x70] =	vst v27  }
0xea: {  	v27 =	vld [tilespmem:s0+$0x100]  }
0xeb: {  	s22 =	sand.u32 $0xFFFFFFF0, s28  }
0xec: {  	s0 =	smin.u32 s22, $0x18  }
0xed: {  	s0 =	ssub.s32 $0x0, s0  }
0xee: {  	v29 =	vmov s0  }
0xef: {  	v27 =	vperm.xlane v27, v29;
	_ =	sdelay $0x1  }
0xf0: {  	v27 =	vshll.u32 v27, $0x1  }
0xf1: {  	v27 =	vand.u32 $0x1E, v27  }
0xf2: {  	v29 =	vor.u32 $0x1, v27  }
0xf3: {  	vm2 =	veq.s32 v27, v9;
	vm1 =	veq.s32 v29, v1;
	vm3 =	veq.s32 v29, v9  }
0xf4: {  	s13 =	simm.s32 $0x0;
	s9 =	simm.s32 $0x80;
	s10 =	simm.s32 $0x7B80;
	vm4 =	veq.s32 v27, v1;
	v27 =	vsel vm1, $0x3F800000, v0;
	v29 =	vsel vm3, $0x3F800000, v0  }
0xf5: {  	s11 =	simm.s32 $0x53C0;
	s12 =	simm.s32 $0x0;
	s0 =	simm.s32 $0xFFFFFFD8;
	v27 =	vsel vm4, v28, v27;
	v28 =	vsel vm2, v28, v29  }
.LBB2_5:
0xf6: {  	[tilespmem:s15+$0x1410] =	vst v28;
	s12 =	sadd.s32 $0x1, s12;
	s13 =	sadd.s32 $0x100, s13;
	s0 =	sadd.s32 $0x1, s0  }
0xf7: {  	s22 =	sand.u32 $0x380, s9;
	p0 =	sne.s32 s9, $0x1380;
	s16 =	sand.u32 $0x3800, s13;
	[tilespmem:s15+$0x1400] =	vst v27  }
0xf8: {  	s9 =	sadd.s32 $0x80, s9;
	s15 =	smov.u32 s10;
	v27 =	vld [tilespmem:s11+$0xFFFFFFC0];
	s16 =	sor.u32 s22, s16  }
0xf9: {  	v28 =	vld [tilespmem:s16+$0x300]  }
0xfa: {  	v29 =	vld [tilespmem:s11+$0xFFFFFFD0]  }
0xfb: {  	v30 =	vld [tilespmem:s16+$0x310]  }
0xfc: {  	v31 =	vld [tilespmem:s11+$0xFFFFFFE0]  }
0xfd: {  	v32 =	vld [tilespmem:s16+$0x320]  }
0xfe: {  	v27 =	vsub.f32 v27, v28;
	v28 =	vld [tilespmem:s11+$0xFFFFFFF0]  }
0xff: {  	v33 =	vld [tilespmem:s16+$0x330]  }
0x100: {  	v27 =	vadd.f32 v27, v10;
	v29 =	vsub.f32 v29, v30;
	v30 =	vld [tilespmem:s11+$0x0]  }
0x101: {  	v34 =	vld [tilespmem:s16+$0x340]  }
0x102: {  	v27 =	vmax.f32 v27, $0.0e+00;
	v29 =	vadd.f32 v29, v11;
	v31 =	vsub.f32 v31, v32;
	v32 =	vld [tilespmem:s11+$0x10]  }
0x103: {  	v27 =	vmul.f32 v27, v18;
	v35 =	vld [tilespmem:s16+$0x350]  }
0x104: {  	v29 =	vmax.f32 v29, $0.0e+00;
	v31 =	vadd.f32 v31, v12;
	v28 =	vsub.f32 v28, v33;
	v33 =	vld [tilespmem:s11+$0x20]  }
0x105: {  	v27 =	vadd.f32 $0.0e+00, v27;
	v29 =	vmul.f32 v29, v19;
	v36 =	vld [tilespmem:s16+$0x360]  }
0x106: {  	v31 =	vmax.f32 v31, $0.0e+00;
	v28 =	vadd.f32 v28, v13;
	v30 =	vsub.f32 v30, v34;
	v34 =	vld [tilespmem:s11+$0x30]  }
0x107: {  	v27 =	vadd.f32 v29, v27;
	v29 =	vmul.f32 v31, v20;
	v31 =	vld [tilespmem:s16+$0x370]  }
0x108: {  	v28 =	vmax.f32 v28, $0.0e+00;
	v30 =	vadd.f32 v30, v14;
	v32 =	vsub.f32 v32, v35  }
0x109: {  	v27 =	vadd.f32 v29, v27;
	v28 =	vmul.f32 v28, v21  }
0x10a: {  	v29 =	vmax.f32 v30, $0.0e+00;
	v30 =	vadd.f32 v32, v15;
	v32 =	vsub.f32 v33, v36  }
0x10b: {  	v27 =	vadd.f32 v28, v27;
	v28 =	vmul.f32 v29, v22  }
0x10c: {  	v29 =	vmax.f32 v30, $0.0e+00;
	v30 =	vadd.f32 v32, v16;
	v31 =	vsub.f32 v34, v31  }
0x10d: {  	v27 =	vadd.f32 v28, v27;
	v28 =	vmul.f32 v29, v23  }
0x10e: {  	v29 =	vmax.f32 v30, $0.0e+00;
	v30 =	vadd.f32 v31, v17  }
0x10f: {  	v27 =	vadd.f32 v28, v27;
	v28 =	vmul.f32 v29, v24  }
0x110: {  	v29 =	vmax.f32 v30, $0.0e+00  }
0x111: {  	v27 =	vadd.f32 v28, v27;
	v28 =	vmul.f32 v29, v25;
	_ =	sdelay $0x1  }
0x112: {  	v27 =	vadd.f32 v28, v27;
	_ =	sdelay $0x1  }
0x113: {  	v28 =	vperm.xlane v27, v2;
	_ =	sdelay $0x1  }
0x114: {  	v27 =	vadd.f32 v27, v28;
	_ =	sdelay $0x1  }
0x115: {  	v28 =	vperm.xlane v27, v4;
	_ =	sdelay $0x1  }
0x116: {  	v27 =	vadd.f32 v27, v28;
	_ =	sdelay $0x1  }
0x117: {  	v28 =	vperm.xlane v27, v6;
	_ =	sdelay $0x1  }
0x118: {  	v27 =	vadd.f32 v27, v28;
	_ =	sdelay $0x1  }
0x119: {  	v28 =	vperm.xlane v27, v8;
	_ =	sdelay $0x1  }
0x11a: {  	v27 =	vadd.f32 v27, v28;
	_ =	sdelay $0x1  }
0x11b: {  	v27 =	vadd.f32 v27, v26;
	_ =	sdelay $0x1  }
0x11c: {  	v27 =	vsub.f32 $0.0e+00, v27;
	_ =	sdelay $0x1  }
0x11d: {  	v27 =	vmul.f32 $1.442695020e+00, v27;
	_ =	sdelay $0x1  }
0x11e: {  	(erf) = vpow2.f32 v27;
	_ =	sdelay $0x8  }
0x11f: {  	v27 =	vpop (erf)  }
0x120: {  	v27 =	vadd.f32 $1.000000000e+00, v27;
	_ =	sdelay $0x1  }
0x121: {  	(erf) = vrcp.f32 v27;
	_ =	sdelay $0x4  }
0x122: {  	v27 =	vld [tilespmem:s16+$0x700];
	_ =	sdelay $0x3  }
0x123: {  	v28 =	vpop (erf)  }
0x124: {  	v27 =	vmul.f32 v28, v27;
	_ =	sdelay $0x1  }
0x125: {  	[tilespmem:s10+$0x0] =	vst v27  }
0x126: {  	v27 =	vld [tilespmem:s16+$0x710];
	_ =	sdelay $0x4  }
0x127: {  	v27 =	vmul.f32 v28, v27;
	_ =	sdelay $0x1  }
0x128: {  	[tilespmem:s10+$0x10] =	vst v27  }
0x129: {  	v27 =	vld [tilespmem:s16+$0x720];
	_ =	sdelay $0x4  }
0x12a: {  	v27 =	vmul.f32 v28, v27;
	_ =	sdelay $0x1  }
0x12b: {  	[tilespmem:s10+$0x20] =	vst v27  }
0x12c: {  	v27 =	vld [tilespmem:s16+$0x730];
	_ =	sdelay $0x4  }
0x12d: {  	v27 =	vmul.f32 v28, v27;
	_ =	sdelay $0x1  }
0x12e: {  	[tilespmem:s10+$0x30] =	vst v27  }
0x12f: {  	v27 =	vld [tilespmem:s16+$0x740];
	_ =	sdelay $0x4  }
0x130: {  	v27 =	vmul.f32 v28, v27;
	_ =	sdelay $0x1  }
0x131: {  	[tilespmem:s10+$0x40] =	vst v27  }
0x132: {  	v27 =	vld [tilespmem:s16+$0x750];
	_ =	sdelay $0x4  }
0x133: {  	v27 =	vmul.f32 v27, v28;
	_ =	sdelay $0x1  }
0x134: {  	[tilespmem:s10+$0x50] =	vst v27  }
0x135: {  	v27 =	vld [tilespmem:s16+$0x760];
	_ =	sdelay $0x4  }
0x136: {  	v27 =	vmul.f32 v27, v28;
	_ =	sdelay $0x1  }
0x137: {  	[tilespmem:s10+$0x60] =	vst v27  }
0x138: {  	v27 =	vld [tilespmem:s16+$0x770];
	_ =	sdelay $0x4  }
0x139: {  	s16 =	sadd.s32 $0x28, s0;
	v27 =	vmul.f32 v27, v28  }
0x13a: {  	s16 =	sand.u32 $0x30, s16  }
0x13b: {  	s16 =	smin.u32 s16, $0x18;
	[tilespmem:s10+$0x70] =	vst v27  }
0x13c: {  	v27 =	vld [tilespmem:s16+$0x100]  }
0x13d: {  	s16 =	sand.u32 $0xFFFFFFF0, s12  }
0x13e: {  	s16 =	smin.u32 s16, $0x18  }
0x13f: {  	s16 =	ssub.s32 s12, s16  }
0x140: {  	v29 =	vmov s16  }
0x141: {  	v27 =	vperm.xlane v27, v29;
	_ =	sdelay $0x1  }
0x142: {  	v27 =	vshll.u32 v27, $0x1  }
.Ltmp1:
0x143: {  	v27 =	vand.u32 $0x1E, v27;
	(pc) =	sbr.rel @p0 .LBB2_5-.Ltmp1, $4  }
0x144: {  	v29 =	vor.u32 $0x1, v27  }
0x145: {  	vm2 =	veq.s32 v27, v9;
	vm1 =	veq.s32 v29, v1;
	vm3 =	veq.s32 v29, v9  }
0x146: {  	vm4 =	veq.s32 v27, v1;
	v27 =	vsel vm1, $0x3F800000, v0;
	v29 =	vsel vm3, $0x3F800000, v0  }
0x147: {  	s11 =	sadd.s32 $0x80, s11;
	s10 =	sadd.s32 $0x80, s10;
	v27 =	vsel vm4, v28, v27;
	v28 =	vsel vm2, v28, v29  }
0x148: {  	[tilespmem:s15+$0x1410] =	vst v28;
	p0 =	seq.s32 s29, $0x7C  }
.Ltmp2:
0x149: {  	[tilespmem:s15+$0x1400] =	vst v27;
	(pc) =	sbr.rel @p0 .LBB2_8-.Ltmp2, $4  }
0x14a: {  	[spmem:s2] =	stream.indirect.scatter.add.f32 [tilespmem:s24], [sflag:$0x5], $0x80, s23, s21, $0xb8;
	[tilespmem:$0x1F480] =	vst v63  }
0x14b: {  	_ =	swait.ge [sflag:s19], $0x2800  }
0x14c: {  	[sflag:s19] =	ssyncset.done $0x0  }
0x14d: {  	[sflag:s19] =	ssyncadd.s32 $0xFFFFD800  }
0x14e: {  	s0 =	rddreg [dreg:$0x9]  }
0x14f: {  	s0 =	sadd.s32 s31, s0  }
0x150: {  	s9 =	sshrl.u32 s0, $0x3  }
0x151: {  	s10 =	sadd.s32 s5, s9  }
0x152: {  	[tilespmem:s3], [sflag:$0x5] =	stream.linear.gather [hbm4b:s10+s3], $0x28, $0x38;
	[tilespmem:$0x1F480] =	vst v63  }
0x153: {  	_ =	swait.ge [sflag:s19], $0x28  }
0x154: {  	[sflag:s19] =	ssyncset.done $0x0  }
0x155: {  	s11 =	simm.s32 $0x100;
	s9 =	sadd.s32 s6, s9;
	[sflag:s19] =	ssyncadd.s32 $0xFFFFFFD8  }
0x156: {  	[tilespmem:s11], [sflag:$0x5] =	stream.linear.gather [hbm4b:s9+s3], $0x28, $0x38;
	[tilespmem:$0x1F480] =	vst v63  }
0x157: {  	_ =	swait.ge [sflag:s19], $0x28  }
0x158: {  	s0 =	sshrl.u32 s0, $0x2;
	[sflag:s19] =	ssyncset.done $0x0  }
0x159: {  	s0 =	sadd.s32 s7, s0;
	[sflag:s19] =	ssyncadd.s32 $0xFFFFFFD8  }
0x15a: {  	[tilespmem:s23], [sflag:$0x5] =	stream.linear.gather [hbm4b:s0+s3], $0x50, $0x38;
	[tilespmem:$0x1F480] =	vst v63  }
0x15b: {  	_ =	swait.ge [sflag:s19], $0x50  }
0x15c: {  	[sflag:s19] =	ssyncset.done $0x0  }
0x15d: {  	[sflag:s19] =	ssyncadd.s32 $0xFFFFFFB0  }
0x15e: {  	v27 =	vld [tilespmem:$0x0];
	_ =	sdelay $0x4  }
0x15f: {  	v28 =	vshll.u32 v27, $0x1  }
0x160: {  	v27 =	vand.u32 $0x7, v27;
	v28 =	vand.u32 $0xFFFFFFF0, v28  }
0x161: {  	v27 =	vor.u32 v27, v28  }
0x162: {  	v28 =	vperm.xlane v27, v3;
	_ =	sdelay $0x1  }
0x163: {  	v27 =	vperm.xlane v27, v7;
	v28 =	vadd.s32 v5, v28;
	_ =	sdelay $0x1  }
0x164: {  	v27 =	vadd.s32 v5, v27;
	_ =	sdelay $0x1  }
0x165: {  	s12 =	simm.s32 $0x300  }
0x166: {  	[tilespmem:s12], [sflag:$0x1] =	stream.indirect_vreg.gather [hbm4b:s8+s3], $0x80, v28, vm0, $0xb8;
	[tilespmem:$0x1F480] =	vst v63  }
0x167: {  	s13 =	simm.s32 $0xB00  }
0x168: {  	[tilespmem:s13], [sflag:$0x1] =	stream.indirect_vreg.gather [hbm4b:s8+s3], $0x80, v27, vm0, $0xb8;
	[tilespmem:$0x1F480] =	vst v63  }
0x169: {  	v27 =	vld [tilespmem:$0x10];
	_ =	sdelay $0x4  }
0x16a: {  	v62 =	vshll.u32 v27, $0x1  }
0x16b: {  	v27 =	vand.u32 $0x7, v27;
	v28 =	vand.u32 $0xFFFFFFF0, v62  }
0x16c: {  	v27 =	vor.u32 v27, v28  }
0x16d: {  	v28 =	vperm.xlane v27, v3;
	_ =	sdelay $0x1  }
0x16e: {  	v27 =	vperm.xlane v27, v7;
	v28 =	vadd.s32 v5, v28;
	_ =	sdelay $0x1  }
0x16f: {  	v27 =	vadd.s32 v5, v27;
	_ =	sdelay $0x1  }
0x170: {  	s15 =	simm.s32 $0x1300  }
0x171: {  	[tilespmem:s15], [sflag:$0x1] =	stream.indirect_vreg.gather [hbm4b:s8+s3], $0x80, v28, vm0, $0xb8;
	[tilespmem:$0x1F480] =	vst v63  }
0x172: {  	s16 =	simm.s32 $0x1B00  }
0x173: {  	[tilespmem:s16], [sflag:$0x1] =	stream.indirect_vreg.gather [hbm4b:s8+s3], $0x80, v27, vm0, $0xb8;
	[tilespmem:$0x1F480] =	vst v63  }
0x174: {  	v27 =	vld.msk [tilespmem:$0x20], $0xff;
	_ =	sdelay $0x4  }
0x175: {  	v63 =	vshll.u32 v27, $0x1  }
0x176: {  	v27 =	vand.u32 $0x7, v27;
	v28 =	vand.u32 $0xFFFFFFF0, v63  }
0x177: {  	v27 =	vor.u32 v27, v28  }
0x178: {  	v27 =	vperm.xlane v27, v3;
	_ =	sdelay $0x1  }
0x179: {  	v27 =	vadd.s32 v5, v27;
	_ =	sdelay $0x3  }
0x17a: {  	s22 =	simm.s32 $0x2300  }
0x17b: {  	[tilespmem:s22], [sflag:$0x1] =	stream.indirect_vreg.gather [hbm4b:s8+s3], $0x80, v27, vm0, $0xb8;
	[tilespmem:$0x1F480] =	vst v63  }
0x17c: {  	s31 =	simm.s32 $0x5300  }
0x17d: {  	[tilespmem:s31], [sflag:$0x3] =	stream.indirect.gather [hbm4b:s1+s30], $0x80, s11, s30, $0xb8;
	[tilespmem:$0x1F480] =	vst v63  }
.LBB2_8:
0x17e: {  	_ =	swait.ge [sflag:s25], $0x2800  }
0x17f: {  	[sflag:s25] =	ssyncset.done $0x0  }
0x180: {  	[sflag:s25] =	ssyncadd.s32 $0xFFFFD800  }
0x181: {  	_ =	swait.ge [sflag:s26], $0x1400  }
0x182: {  	s31 =	simm.s32 $0x0;
	s9 =	simm.s32 $0x6740;
	[sflag:s26] =	ssyncset.done $0x0  }
0x183: {  	s0 =	sand.u32 $0x3800, s31;
	s10 =	sand.u32 $0x380, s31;
	[sflag:s26] =	ssyncadd.s32 $0xFFFFEC00  }
0x184: {  	s0 =	sor.u32 s10, s0;
	v27 =	vld [tilespmem:s9+$0xFFFFFFC0]  }
0x185: {  	v28 =	vld [tilespmem:s0+$0x2B00]  }
0x186: {  	v29 =	vld [tilespmem:s9+$0xFFFFFFD0]  }
0x187: {  	v30 =	vld [tilespmem:s0+$0x2B10]  }
0x188: {  	v31 =	vld [tilespmem:s9+$0xFFFFFFE0]  }
0x189: {  	v32 =	vld [tilespmem:s0+$0x2B20]  }
0x18a: {  	v33 =	vld [tilespmem:s0+$0x2B30];
	v27 =	vsub.f32 v27, v28  }
0x18b: {  	v28 =	vld [tilespmem:s9+$0xFFFFFFF0]  }
0x18c: {  	v34 =	vld [tilespmem:s0+$0x2B40];
	v29 =	vsub.f32 v29, v30;
	v27 =	vadd.f32 v27, v10  }
0x18d: {  	v30 =	vld [tilespmem:s9+$0x0]  }
0x18e: {  	v60 =	vld [tilespmem:s9+$0x10];
	v31 =	vsub.f32 v31, v32;
	v29 =	vadd.f32 v29, v11;
	v27 =	vmax.f32 v27, $0.0e+00  }
0x18f: {  	v35 =	vld [tilespmem:s0+$0x2B50];
	v27 =	vmul.f32 v27, v18  }
0x190: {  	v61 =	vld [tilespmem:s9+$0x20];
	v31 =	vadd.f32 v31, v12;
	v29 =	vmax.f32 v29, $0.0e+00;
	v28 =	vsub.f32 v28, v33  }
0x191: {  	v36 =	vld [tilespmem:s0+$0x2B60];
	v29 =	vmul.f32 v29, v19;
	v27 =	vadd.f32 $0.0e+00, v27  }
0x192: {  	v62 =	vld [tilespmem:s9+$0x30];
	v31 =	vmax.f32 v31, $0.0e+00;
	v30 =	vsub.f32 v30, v34;
	v28 =	vadd.f32 v28, v13  }
0x193: {  	v27 =	vadd.f32 v29, v27;
	v29 =	vmul.f32 v31, v20;
	v31 =	vld [tilespmem:s0+$0x2B70]  }
0x194: {  	v32 =	vsub.f32 v60, v35;
	v30 =	vadd.f32 v30, v14;
	v28 =	vmax.f32 v28, $0.0e+00  }
0x195: {  	v28 =	vmul.f32 v28, v21;
	v27 =	vadd.f32 v29, v27  }
0x196: {  	v63 =	vsub.f32 v61, v36;
	v29 =	vmax.f32 v30, $0.0e+00;
	v30 =	vadd.f32 v32, v15  }
0x197: {  	v27 =	vadd.f32 v28, v27;
	v28 =	vmul.f32 v29, v22  }
0x198: {  	v29 =	vmax.f32 v30, $0.0e+00;
	v30 =	vadd.f32 v63, v16;
	v31 =	vsub.f32 v62, v31  }
0x199: {  	v27 =	vadd.f32 v28, v27;
	v28 =	vmul.f32 v29, v23  }
0x19a: {  	v29 =	vmax.f32 v30, $0.0e+00;
	v30 =	vadd.f32 v31, v17  }
0x19b: {  	v27 =	vadd.f32 v28, v27;
	v28 =	vmul.f32 v29, v24  }
0x19c: {  	v29 =	vmax.f32 v30, $0.0e+00  }
0x19d: {  	v27 =	vadd.f32 v28, v27;
	v28 =	vmul.f32 v29, v25;
	_ =	sdelay $0x1  }
0x19e: {  	v27 =	vadd.f32 v28, v27;
	_ =	sdelay $0x1  }
0x19f: {  	v28 =	vperm.xlane v27, v2;
	_ =	sdelay $0x1  }
0x1a0: {  	v27 =	vadd.f32 v27, v28;
	_ =	sdelay $0x1  }
0x1a1: {  	v28 =	vperm.xlane v27, v4;
	_ =	sdelay $0x1  }
0x1a2: {  	v27 =	vadd.f32 v27, v28;
	_ =	sdelay $0x1  }
0x1a3: {  	v28 =	vperm.xlane v27, v6;
	_ =	sdelay $0x1  }
0x1a4: {  	v27 =	vadd.f32 v27, v28;
	_ =	sdelay $0x1  }
0x1a5: {  	v28 =	vperm.xlane v27, v8;
	_ =	sdelay $0x1  }
0x1a6: {  	v27 =	vadd.f32 v27, v28;
	_ =	sdelay $0x1  }
0x1a7: {  	v27 =	vadd.f32 v27, v26;
	_ =	sdelay $0x1  }
0x1a8: {  	v27 =	vsub.f32 $0.0e+00, v27;
	_ =	sdelay $0x1  }
0x1a9: {  	v27 =	vmul.f32 $1.442695020e+00, v27;
	_ =	sdelay $0x1  }
0x1aa: {  	(erf) = vpow2.f32 v27;
	_ =	sdelay $0x8  }
0x1ab: {  	v27 =	vpop (erf)  }
0x1ac: {  	v27 =	vadd.f32 $1.000000000e+00, v27;
	_ =	sdelay $0x1  }
0x1ad: {  	(erf) = vrcp.f32 v27;
	_ =	sdelay $0x4  }
0x1ae: {  	v27 =	vld [tilespmem:s0+$0x2F00];
	_ =	sdelay $0x3  }
0x1af: {  	v28 =	vpop (erf)  }
0x1b0: {  	v27 =	vmul.f32 v28, v27  }
0x1b1: {  	s15 =	simm.s32 $0x7B00  }
0x1b2: {  	[tilespmem:s15+$0x0] =	vst v27  }
0x1b3: {  	v27 =	vld [tilespmem:s0+$0x2F10];
	_ =	sdelay $0x4  }
0x1b4: {  	v27 =	vmul.f32 v28, v27;
	_ =	sdelay $0x1  }
0x1b5: {  	[tilespmem:s15+$0x10] =	vst v27  }
0x1b6: {  	v27 =	vld [tilespmem:s0+$0x2F20];
	_ =	sdelay $0x4  }
0x1b7: {  	v27 =	vmul.f32 v28, v27;
	_ =	sdelay $0x1  }
0x1b8: {  	[tilespmem:s15+$0x20] =	vst v27  }
0x1b9: {  	v27 =	vld [tilespmem:s0+$0x2F30];
	_ =	sdelay $0x4  }
0x1ba: {  	v27 =	vmul.f32 v28, v27;
	_ =	sdelay $0x1  }
0x1bb: {  	[tilespmem:s15+$0x30] =	vst v27  }
0x1bc: {  	v27 =	vld [tilespmem:s0+$0x2F40];
	_ =	sdelay $0x4  }
0x1bd: {  	v27 =	vmul.f32 v28, v27;
	_ =	sdelay $0x1  }
0x1be: {  	[tilespmem:s15+$0x40] =	vst v27  }
0x1bf: {  	v27 =	vld [tilespmem:s0+$0x2F50];
	_ =	sdelay $0x4  }
0x1c0: {  	v27 =	vmul.f32 v27, v28;
	_ =	sdelay $0x1  }
0x1c1: {  	[tilespmem:s15+$0x50] =	vst v27  }
0x1c2: {  	v27 =	vld [tilespmem:s0+$0x2F60];
	_ =	sdelay $0x4  }
0x1c3: {  	v27 =	vmul.f32 v27, v28;
	_ =	sdelay $0x1  }
0x1c4: {  	[tilespmem:s15+$0x60] =	vst v27  }
0x1c5: {  	v27 =	vld [tilespmem:s0+$0x2F70];
	_ =	sdelay $0x4  }
0x1c6: {  	s16 =	simm.s32 $0x0;
	v27 =	vmul.f32 v27, v28  }
0x1c7: {  	s0 =	sand.u32 $0x30, s16  }
0x1c8: {  	s0 =	smin.u32 s0, $0x18;
	[tilespmem:s15+$0x70] =	vst v27  }
0x1c9: {  	v27 =	vld [tilespmem:s0+$0x180]  }
0x1ca: {  	s22 =	sand.u32 $0xFFFFFFF0, s31  }
0x1cb: {  	s0 =	smin.u32 s22, $0x18  }
0x1cc: {  	s0 =	ssub.s32 $0x0, s0  }
0x1cd: {  	v29 =	vmov s0  }
0x1ce: {  	v27 =	vperm.xlane v27, v29;
	_ =	sdelay $0x1  }
0x1cf: {  	v27 =	vshll.u32 v27, $0x1  }
0x1d0: {  	v27 =	vand.u32 $0x1E, v27  }
0x1d1: {  	v29 =	vor.u32 $0x1, v27  }
0x1d2: {  	vm2 =	veq.s32 v27, v9;
	vm1 =	veq.s32 v29, v1;
	vm3 =	veq.s32 v29, v9  }
0x1d3: {  	s11 =	simm.s32 $0x67C0;
	s12 =	simm.s32 $0x0;
	vm4 =	veq.s32 v27, v1;
	v27 =	vsel vm1, $0x3F800000, v0;
	v29 =	vsel vm3, $0x3F800000, v0  }
0x1d4: {  	s10 =	simm.s32 $0x7B80;
	s9 =	simm.s32 $0x80;
	s0 =	simm.s32 $0xFFFFFFD8;
	v27 =	vsel vm4, v28, v27;
	v28 =	vsel vm2, v28, v29  }
.LBB2_9:
0x1d5: {  	[tilespmem:s15+$0x1410] =	vst v28;
	s31 =	sadd.s32 $0x1, s31;
	s12 =	sadd.s32 $0x100, s12;
	s0 =	sadd.s32 $0x1, s0  }
0x1d6: {  	s16 =	sand.u32 $0x380, s9;
	p0 =	sne.s32 s9, $0x1380;
	s13 =	sand.u32 $0x3800, s12;
	[tilespmem:s15+$0x1400] =	vst v27  }
0x1d7: {  	s9 =	sadd.s32 $0x80, s9;
	s15 =	smov.u32 s10;
	v27 =	vld [tilespmem:s11+$0xFFFFFFC0];
	s13 =	sor.u32 s16, s13  }
0x1d8: {  	v28 =	vld [tilespmem:s13+$0x2B00]  }
0x1d9: {  	v29 =	vld [tilespmem:s11+$0xFFFFFFD0]  }
0x1da: {  	v30 =	vld [tilespmem:s13+$0x2B10]  }
0x1db: {  	v31 =	vld [tilespmem:s11+$0xFFFFFFE0]  }
0x1dc: {  	v32 =	vld [tilespmem:s13+$0x2B20]  }
0x1dd: {  	v27 =	vsub.f32 v27, v28;
	v28 =	vld [tilespmem:s11+$0xFFFFFFF0]  }
0x1de: {  	v33 =	vld [tilespmem:s13+$0x2B30]  }
0x1df: {  	v27 =	vadd.f32 v27, v10;
	v29 =	vsub.f32 v29, v30;
	v30 =	vld [tilespmem:s11+$0x0]  }
0x1e0: {  	v34 =	vld [tilespmem:s13+$0x2B40]  }
0x1e1: {  	v27 =	vmax.f32 v27, $0.0e+00;
	v29 =	vadd.f32 v29, v11;
	v31 =	vsub.f32 v31, v32;
	v32 =	vld [tilespmem:s11+$0x10]  }
0x1e2: {  	v27 =	vmul.f32 v27, v18;
	v35 =	vld [tilespmem:s13+$0x2B50]  }
0x1e3: {  	v29 =	vmax.f32 v29, $0.0e+00;
	v31 =	vadd.f32 v31, v12;
	v28 =	vsub.f32 v28, v33;
	v33 =	vld [tilespmem:s11+$0x20]  }
0x1e4: {  	v27 =	vadd.f32 $0.0e+00, v27;
	v29 =	vmul.f32 v29, v19;
	v36 =	vld [tilespmem:s13+$0x2B60]  }
0x1e5: {  	v31 =	vmax.f32 v31, $0.0e+00;
	v28 =	vadd.f32 v28, v13;
	v30 =	vsub.f32 v30, v34;
	v34 =	vld [tilespmem:s11+$0x30]  }
0x1e6: {  	v27 =	vadd.f32 v29, v27;
	v29 =	vmul.f32 v31, v20;
	v31 =	vld [tilespmem:s13+$0x2B70]  }
0x1e7: {  	v28 =	vmax.f32 v28, $0.0e+00;
	v30 =	vadd.f32 v30, v14;
	v32 =	vsub.f32 v32, v35  }
0x1e8: {  	v27 =	vadd.f32 v29, v27;
	v28 =	vmul.f32 v28, v21  }
0x1e9: {  	v29 =	vmax.f32 v30, $0.0e+00;
	v30 =	vadd.f32 v32, v15;
	v32 =	vsub.f32 v33, v36  }
0x1ea: {  	v27 =	vadd.f32 v28, v27;
	v28 =	vmul.f32 v29, v22  }
0x1eb: {  	v29 =	vmax.f32 v30, $0.0e+00;
	v30 =	vadd.f32 v32, v16;
	v31 =	vsub.f32 v34, v31  }
0x1ec: {  	v27 =	vadd.f32 v28, v27;
	v28 =	vmul.f32 v29, v23  }
0x1ed: {  	v29 =	vmax.f32 v30, $0.0e+00;
	v30 =	vadd.f32 v31, v17  }
0x1ee: {  	v27 =	vadd.f32 v28, v27;
	v28 =	vmul.f32 v29, v24  }
0x1ef: {  	v29 =	vmax.f32 v30, $0.0e+00  }
0x1f0: {  	v27 =	vadd.f32 v28, v27;
	v28 =	vmul.f32 v29, v25;
	_ =	sdelay $0x1  }
0x1f1: {  	v27 =	vadd.f32 v28, v27;
	_ =	sdelay $0x1  }
0x1f2: {  	v28 =	vperm.xlane v27, v2;
	_ =	sdelay $0x1  }
0x1f3: {  	v27 =	vadd.f32 v27, v28;
	_ =	sdelay $0x1  }
0x1f4: {  	v28 =	vperm.xlane v27, v4;
	_ =	sdelay $0x1  }
0x1f5: {  	v27 =	vadd.f32 v27, v28;
	_ =	sdelay $0x1  }
0x1f6: {  	v28 =	vperm.xlane v27, v6;
	_ =	sdelay $0x1  }
0x1f7: {  	v27 =	vadd.f32 v27, v28;
	_ =	sdelay $0x1  }
0x1f8: {  	v28 =	vperm.xlane v27, v8;
	_ =	sdelay $0x1  }
0x1f9: {  	v27 =	vadd.f32 v27, v28;
	_ =	sdelay $0x1  }
0x1fa: {  	v27 =	vadd.f32 v27, v26;
	_ =	sdelay $0x1  }
0x1fb: {  	v27 =	vsub.f32 $0.0e+00, v27;
	_ =	sdelay $0x1  }
0x1fc: {  	v27 =	vmul.f32 $1.442695020e+00, v27;
	_ =	sdelay $0x1  }
0x1fd: {  	(erf) = vpow2.f32 v27;
	_ =	sdelay $0x8  }
0x1fe: {  	v27 =	vpop (erf)  }
0x1ff: {  	v27 =	vadd.f32 $1.000000000e+00, v27;
	_ =	sdelay $0x1  }
0x200: {  	(erf) = vrcp.f32 v27;
	_ =	sdelay $0x4  }
0x201: {  	v27 =	vld [tilespmem:s13+$0x2F00];
	_ =	sdelay $0x3  }
0x202: {  	v28 =	vpop (erf)  }
0x203: {  	v27 =	vmul.f32 v28, v27;
	_ =	sdelay $0x1  }
0x204: {  	[tilespmem:s10+$0x0] =	vst v27  }
0x205: {  	v27 =	vld [tilespmem:s13+$0x2F10];
	_ =	sdelay $0x4  }
0x206: {  	v27 =	vmul.f32 v28, v27;
	_ =	sdelay $0x1  }
0x207: {  	[tilespmem:s10+$0x10] =	vst v27  }
0x208: {  	v27 =	vld [tilespmem:s13+$0x2F20];
	_ =	sdelay $0x4  }
0x209: {  	v27 =	vmul.f32 v28, v27;
	_ =	sdelay $0x1  }
0x20a: {  	[tilespmem:s10+$0x20] =	vst v27  }
0x20b: {  	v27 =	vld [tilespmem:s13+$0x2F30];
	_ =	sdelay $0x4  }
0x20c: {  	v27 =	vmul.f32 v28, v27;
	_ =	sdelay $0x1  }
0x20d: {  	[tilespmem:s10+$0x30] =	vst v27  }
0x20e: {  	v27 =	vld [tilespmem:s13+$0x2F40];
	_ =	sdelay $0x4  }
0x20f: {  	v27 =	vmul.f32 v28, v27;
	_ =	sdelay $0x1  }
0x210: {  	[tilespmem:s10+$0x40] =	vst v27  }
0x211: {  	v27 =	vld [tilespmem:s13+$0x2F50];
	_ =	sdelay $0x4  }
0x212: {  	v27 =	vmul.f32 v27, v28;
	_ =	sdelay $0x1  }
0x213: {  	[tilespmem:s10+$0x50] =	vst v27  }
0x214: {  	v27 =	vld [tilespmem:s13+$0x2F60];
	_ =	sdelay $0x4  }
0x215: {  	v27 =	vmul.f32 v27, v28;
	_ =	sdelay $0x1  }
0x216: {  	[tilespmem:s10+$0x60] =	vst v27  }
0x217: {  	v27 =	vld [tilespmem:s13+$0x2F70];
	_ =	sdelay $0x4  }
0x218: {  	s13 =	sadd.s32 $0x28, s0;
	v27 =	vmul.f32 v27, v28  }
0x219: {  	s13 =	sand.u32 $0x30, s13  }
0x21a: {  	s13 =	smin.u32 s13, $0x18;
	[tilespmem:s10+$0x70] =	vst v27  }
0x21b: {  	v27 =	vld [tilespmem:s13+$0x180]  }
0x21c: {  	s13 =	sand.u32 $0xFFFFFFF0, s31  }
0x21d: {  	s13 =	smin.u32 s13, $0x18  }
0x21e: {  	s13 =	ssub.s32 s31, s13  }
0x21f: {  	v29 =	vmov s13  }
0x220: {  	v27 =	vperm.xlane v27, v29;
	_ =	sdelay $0x1  }
0x221: {  	v27 =	vshll.u32 v27, $0x1  }
.Ltmp3:
0x222: {  	v27 =	vand.u32 $0x1E, v27;
	(pc) =	sbr.rel @p0 .LBB2_9-.Ltmp3, $4  }
0x223: {  	v29 =	vor.u32 $0x1, v27  }
0x224: {  	vm2 =	veq.s32 v27, v9;
	vm1 =	veq.s32 v29, v1;
	vm3 =	veq.s32 v29, v9  }
0x225: {  	vm4 =	veq.s32 v27, v1;
	v27 =	vsel vm1, $0x3F800000, v0;
	v29 =	vsel vm3, $0x3F800000, v0  }
0x226: {  	s11 =	sadd.s32 $0x80, s11;
	s10 =	sadd.s32 $0x80, s10;
	v27 =	vsel vm4, v28, v27;
	v28 =	vsel vm2, v28, v29  }
0x227: {  	s29 =	sadd.s32 $0x1, s29  }
0x228: {  	[tilespmem:s15+$0x1410] =	vst v28;
	p0 =	sne.s32 s29, $0x7D  }
.Ltmp4:
0x229: {  	[tilespmem:s15+$0x1400] =	vst v27;
	(pc) =	sbr.rel @p0 .LBB2_4-.Ltmp4, $4  }
0x22a: {  	[spmem:s2] =	stream.indirect.scatter.add.f32 [tilespmem:s24], [sflag:$0x5], $0x80, s18, s21, $0xb8;
	[tilespmem:$0x1F480] =	vst v63  }
0x22b: {  	_ =	swait.ge [sflag:s19], $0x2800  }
0x22c: {  	[sflag:s19] =	ssyncset.done $0x0  }
0x22d: {  	[sflag:s19] =	ssyncadd.s32 $0xFFFFD800  }
0x22e: {  	[bflag:$0x0] =	sbarrier.arrive $0xFFFF  }
0x22f: {  	s0 =	rddreg [dreg:$0xa]  }
0x230: {  	s10 =	rddreg [dreg:$0xc]  }
0x231: {  	s11 =	rddreg [dreg:$0xd]  }
0x232: {  	[hbm:s0], [sflag:s10] =	dma.local [spmem:s11], $0x2A00  }
0x233: {  	_ =	swait.ge [sflag:s19], $0x2A00  }
0x234: {  	s9 =	rddreg [dreg:$0xe]  }
0x235: {  	s31 =	rddreg [dreg:$0xb];
	s9 =	sadd.s32 $0x1, s9  }
0x236: {  	p0 =	sne.s32 s9, s31  }
.Ltmp5:
0x237: {  	_ = 	snop;
	(pc) =	sbr.rel @p0 .LBB2_1-.Ltmp5, $3  }
0x238: {  	_ =	sdelay $0x1  }
0x239: {  	[sflag:s19] =	ssyncset.done $0x0  }
0x23a: {  	[sflag:s19] =	ssyncadd.s32 $0xFFFFD600  }
0x23b: {  	_ =	sfence.sel $0x180000  }
0x23c: {  	[bflag:$0x0] =	sbarrier.arrive $0xFFFF  }
0x23d: {  	_ =	strace $0x90000047  }
0x23e: {  	s0 =	stileid.u32;
	[bflag:$0x2] =	sbarrier.arrive $0xFFFF  }
0x23f: {  	p0 =	sne.s32 s0, $0x0;
	s0 =	rddreg [dreg:$0x3]  }
0x240: {  	s0 =	sadd.s32 @!p0 $0x100000, s0  }
0x241: {  	[sflag:s0] =	ssyncadd.tile.s32 @!p0 $0x1;
	_ =	shalt  }
.Lfunc_end2:
_tile_overlayer_lowered:
.L_overlay_start_2:
0x242: {  	(tag) =	ssettag $0x2  }
0x243: {  	s0 =	rddreg [dreg:$0x0];
	s2 =	stileid.u32  }
0x244: {  	s1 =	rddreg [dreg:$0x1];
	p0 =	sne.s32 s2, $0x0  }
0x245: {  	s3 =	rddreg [dreg:$0x2];
	[bflag:$0x3] =	sbarrier.arrive $0xFFFF;
	s2 =	simm.s32 @!p0 $0x1C05  }
0x246: {  	[timem:s3], [sflag:s2] =	dma.local @!p0 [hbm:s0], s1  }
0x247: {  	s0 =	simm.s32 @!p0 $0x5  }
0x248: {  	_ =	swait.ge @!p0 [sflag:s0], s1  }
0x249: {  	s1 =	ssub.s32 @!p0 $0x0, s1;
	[sflag:s0] =	ssyncset.done @!p0 $0x0  }
0x24a: {  	[sflag:s0] =	ssyncadd.s32 @!p0 s1  }
0x24b: {  	[bflag:$0x3] =	sbarrier.arrive $0xFFFF  }
0x24c: {  	_ =	shalt  }

</sc_bundles>
